<compile_context>
chip_gen: v7x
topology: tpu7x:2x2x1
jax: 0.10.2.dev20260603
libtpu: 0.0.44.dev20260713+nightly
codegen_flags: <defaults>
</compile_context>

<pallas_src>
import functools

import jax
import jax.numpy as jnp
from jax import lax
from jax.experimental import pallas as pl
from jax.experimental.pallas import tpu as pltpu
from jax.experimental.pallas import tpu_sc as plsc

NU = 20000
NI = 30000
NN = NU + NI
NP = 50176
D = 64
HD = 8
NQ = 8
NPASS = NQ // 2
B = 1024
K = 1000
E = 800000
TEMP = 0.1
NTILES = 16
ROWS_PT = NP // NTILES
EDGES_PT = E // NTILES
W = 128
EP_PAD = 50048
E_PAD = EP_PAD * NTILES
NCH = EP_PAD // W
ZR = 224
NZ = ROWS_PT // ZR
HRC = 57344
CH = 1568
NSTEP = NP // CH

_MESH = plsc.VectorSubcoreMesh(core_axis_name="c", subcore_axis_name="s")
_SC_PARAMS = pltpu.CompilerParams(use_tc_tiling_on_sc=False)
f32 = jnp.float32
i32 = jnp.int32


NE_PT = HRC // NTILES
DEG_F = 17


def _deg_body(sd3, deg2, idx, ones, zbuf, acc, sem):
    c = lax.axis_index("c")
    s = lax.axis_index("s")

    pltpu.sync_copy(sd3.at[c].at[s], idx)

    zero16 = jnp.zeros((16,), f32)
    for t in range(W // 16):
        ones[pl.ds(t * 16, 16)] = jnp.ones((16,), f32)

    def zb(k, _):
        zbuf[pl.ds(k * 16, 16)] = zero16
        return 0

    lax.fori_loop(0, NE_PT // 16, zb, 0)
    pltpu.sync_copy(zbuf, acc.at[pl.ds(s * NE_PT, NE_PT)])
    plsc.subcore_barrier()

    def outer(j, _):
        for t in range(DEG_F):
            pltpu.async_copy(ones, acc.at[idx.at[j * DEG_F + t]], sem,
                             add=True)
        for t in range(DEG_F):
            pltpu.make_async_copy(ones, acc.at[idx.at[0]], sem).wait()
        return 0

    lax.fori_loop(0, NCH // DEG_F, outer, 0)
    plsc.subcore_barrier()

    pltpu.sync_copy(acc.at[pl.ds(s * NE_PT, NE_PT)],
                    deg2.at[c, pl.ds(s * NE_PT, NE_PT)])


@jax.jit
def _deg_call(sd3):
    return pl.kernel(
        _deg_body,
        out_type=jax.ShapeDtypeStruct((2, HRC), f32),
        mesh=_MESH,
        compiler_params=_SC_PARAMS,
        scratch_types=[
            pltpu.VMEM((NCH, W), i32),
            pltpu.VMEM((W,), f32),
            pltpu.VMEM((NE_PT,), f32),
            pltpu.VMEM_SHARED((HRC,), f32),
            pltpu.SemaphoreType.DMA,
        ],
    )(sd3)


def _layer_body(hs, src3, dst3, zeros_h, agg, srcb, dstb, rows0, rows1,
                semg0, semg1, sems0, sems1, acc):
    c = lax.axis_index("c")
    s = lax.axis_index("s")
    pltpu.sync_copy(src3.at[s], srcb)
    pltpu.sync_copy(dst3.at[s], dstb)

    def wait_g(tbl, buf, sem):
        pltpu.make_async_copy(tbl.at[srcb.at[0]], buf, sem).wait()

    def wait_s(buf, sem):
        pltpu.make_async_copy(buf, acc.at[dstb.at[0]], sem).wait()

    for p in range(NPASS):
        q = 2 * p + c
        tbl = hs.at[q]

        def gather(k, buf, sem, _tbl=tbl):
            pltpu.async_copy(_tbl.at[srcb.at[k]], buf, sem)

        def scat(k, buf, sem):
            pltpu.async_copy(buf, acc.at[dstb.at[k]], sem, add=True)

        pltpu.sync_copy(zeros_h.at[pl.ds(s * ROWS_PT, ROWS_PT)],
                        acc.at[pl.ds(s * ROWS_PT, ROWS_PT)])
        plsc.subcore_barrier()

        gather(0, rows0, semg0)

        def body(j, _, _tbl=tbl, _gather=gather, _scat=scat):
            k0 = 2 * j

            @pl.when(j > 0)
            def _():
                wait_s(rows1, sems1)

            _gather(k0 + 1, rows1, semg1)
            wait_g(_tbl, rows0, semg0)
            _scat(k0, rows0, sems0)

            wait_s(rows0, sems0)

            @pl.when(j < NCH // 2 - 1)
            def _():
                _gather(k0 + 2, rows0, semg0)

            wait_g(_tbl, rows1, semg1)
            _scat(k0 + 1, rows1, sems1)
            return 0

        lax.fori_loop(0, NCH // 2, body, 0)
        wait_s(rows1, sems1)
        gather(NCH - 1, rows0, semg0)
        wait_g(tbl, rows0, semg0)
        scat(NCH - 1, rows0, sems0)
        wait_s(rows0, sems0)
        plsc.subcore_barrier()

        for t in range(NZ):
            r0 = s * ROWS_PT + t * ZR
            pltpu.sync_copy(acc.at[pl.ds(r0, ZR)], agg.at[q, pl.ds(r0, ZR)])


@jax.jit
def _layer_call(hs, src3, dst3, zeros_h):
    return pl.kernel(
        _layer_body,
        out_type=jax.ShapeDtypeStruct((NQ, NP, HD), f32),
        mesh=_MESH,
        compiler_params=_SC_PARAMS,
        scratch_types=[
            pltpu.VMEM((NCH, W), i32),
            pltpu.VMEM((NCH, W), i32),
            pltpu.VMEM((W, HD), f32),
            pltpu.VMEM((W, HD), f32),
            pltpu.SemaphoreType.DMA,
            pltpu.SemaphoreType.DMA,
            pltpu.SemaphoreType.DMA,
            pltpu.SemaphoreType.DMA,
            pltpu.VMEM_SHARED((NP, HD), f32),
        ],
    )(hs, src3, dst3, zeros_h)


def _scalemul_body(tblf, sca, outf, rows_v, dsc_v):
    c = lax.axis_index("c")
    s = lax.axis_index("s")
    pltpu.sync_copy(sca.at[pl.ds(s * ROWS_PT, ROWS_PT)],
                    dsc_v.at[pl.ds(0, ROWS_PT)])
    lane16 = lax.iota(i32, 16)

    for dq in range(NPASS):
        q = c * NPASS + dq
        for t in range(NZ):
            off = (s * ROWS_PT + t * ZR) * HD
            pltpu.sync_copy(tblf.at[q, pl.ds(off, ZR * HD)], rows_v)

            def sb(k, _, _t=t):
                v = rows_v[pl.ds(k * 16, 16)]
                dv = dsc_v[pl.ds(_t * ZR + 2 * k, 16)]
                scv = jnp.where(lane16 < HD, dv[0], dv[1])
                rows_v[pl.ds(k * 16, 16)] = v * scv
                return 0

            lax.fori_loop(0, ZR * HD // 16, sb, 0)
            pltpu.sync_copy(rows_v, outf.at[q, pl.ds(off, ZR * HD)])


@jax.jit
def _scalemul_call(tblf, sca):
    return pl.kernel(
        _scalemul_body,
        out_type=jax.ShapeDtypeStruct((NQ, NP * HD), f32),
        mesh=_MESH,
        compiler_params=_SC_PARAMS,
        scratch_types=[
            pltpu.VMEM((ZR * HD,), f32),
            pltpu.VMEM((ROWS_PT + 16,), f32),
        ],
    )(tblf, sca)


def _gather_body(all0s, hs1, hs2, agg3, dodi_h, ids_h, up2, cc2, cent2,
                 G0, G1, G2, G3, dd, UCIC,
                 idsb, rowsb, svalb, sidb, clb, crows, sem):
    c = lax.axis_index("c")
    s = lax.axis_index("s")

    for j in range(2):
        base = s * 192 + j * 96
        pltpu.sync_copy(ids_h.at[pl.ds(base, 96)], idsb)
        for tbl, out in ((all0s, G0), (hs1, G1), (hs2, G2), (agg3, G3)):
            for dq in range(NPASS):
                q = 2 * dq + c
                pltpu.async_copy(tbl.at[q].at[idsb], rowsb, sem).wait()
                pltpu.sync_copy(rowsb, out.at[q, pl.ds(base, 96)])
        pltpu.async_copy(dodi_h.at[c].at[idsb], svalb, sem).wait()
        pltpu.sync_copy(svalb, dd.at[c, pl.ds(base, 96)])

    cb = s * 64
    pltpu.sync_copy(up2.at[c, pl.ds(cb, 64)], sidb)
    pltpu.async_copy(cc2.at[c].at[sidb], clb, sem).wait()
    pltpu.async_copy(cent2.at[c].at[clb], crows, sem).wait()
    pltpu.sync_copy(crows, UCIC.at[c, pl.ds(cb, 64)])


@jax.jit
def _gather_call(all0s, hs1, hs2, agg3, dodi_h, ids_all, up2, cc2, cent2):
    return pl.kernel(
        _gather_body,
        out_type=(
            jax.ShapeDtypeStruct((NQ, 3 * B, HD), f32),
            jax.ShapeDtypeStruct((NQ, 3 * B, HD), f32),
            jax.ShapeDtypeStruct((NQ, 3 * B, HD), f32),
            jax.ShapeDtypeStruct((NQ, 3 * B, HD), f32),
            jax.ShapeDtypeStruct((2, 3 * B, 1), f32),
            jax.ShapeDtypeStruct((2, B, D), f32),
        ),
        mesh=_MESH,
        compiler_params=_SC_PARAMS,
        scratch_types=[
            pltpu.VMEM((96,), i32),
            pltpu.VMEM((96, HD), f32),
            pltpu.VMEM((96, 1), f32),
            pltpu.VMEM((64,), i32),
            pltpu.VMEM((64,), i32),
            pltpu.VMEM((64, D), f32),
            pltpu.SemaphoreType.DMA,
        ],
    )(all0s, hs1, hs2, agg3, dodi_h, ids_all, up2, cc2, cent2)


RB = 6272


def _prep_body(deg_ref, dodi_ref, dido_ref):
    dego = deg_ref[0]
    degi = deg_ref[1]
    do = lax.rsqrt(jnp.where(dego > 0, dego, 1.0))
    di = lax.rsqrt(jnp.where(degi > 0, degi, 1.0))
    dodi_ref[0] = do
    dodi_ref[1] = di
    dido_ref[...] = do * di


@jax.jit
def _prep_call(deg3):
    return pl.pallas_call(
        _prep_body,
        grid=(NP // RB,),
        in_specs=[pl.BlockSpec((2, RB, 1), lambda i: (0, i, 0))],
        out_specs=[
            pl.BlockSpec((2, RB, 1), lambda i: (0, i, 0)),
            pl.BlockSpec((RB, 1), lambda i: (i, 0)),
        ],
        out_shape=[
            jax.ShapeDtypeStruct((2, NP, 1), f32),
            jax.ShapeDtypeStruct((NP, 1), f32),
        ],
    )(deg3)


def _loss_body(all0p_ref, G0r, G1r, G2r, G3r, dogr, digr, UCr, ICr,
               ucr, icr, out_ref, n1_s, ttl_s):
    i = pl.program_id(0)
    invT = 1.0 / TEMP

    def l2n(v):
        nrm = jnp.sqrt(jnp.sum(v * v, axis=1, keepdims=True))
        return v / jnp.maximum(nrm, 1e-12)

    @pl.when(i == 0)
    def _():
        g2 = G2r[...]
        n1_s[...] = l2n(g2[0:2 * B])
        ttl_s[...] = jnp.zeros((2 * B, 1), f32)

    x = all0p_ref[...]
    xn = l2n(x)
    lg = lax.dot_general(n1_s[...], xn, (((1,), (1,)), ((), ())),
                         preferred_element_type=f32)
    col = i * CH + lax.broadcasted_iota(i32, (1, CH), 1)
    row = lax.broadcasted_iota(i32, (2 * B, 1), 0)
    rowu = (row < B).astype(f32)
    mcu = (col < NU).astype(f32)
    mci = ((col >= NU) & (col < NN)).astype(f32)
    m = rowu * mcu + (1.0 - rowu) * mci
    e = jnp.exp(lg * invT) * m
    ttl_s[...] += jnp.sum(e, axis=1, keepdims=True)

    @pl.when(i == NSTEP - 1)
    def _():
        g0 = G0r[...]
        inv_do = 1.0 / dogr[...]
        h1 = G1r[...] * inv_do
        h2 = G2r[...] * inv_do
        h3 = G3r[...] * digr[...]
        lgall = (g0 + h1 + h2 + h3) * 0.25
        ue = lgall[0:B]
        pe = lgall[B:2 * B]
        ne = lgall[2 * B:3 * B]
        pos_s = jnp.sum(ue * pe, axis=1)
        neg_s = jnp.sum(ue * ne, axis=1)
        sig = 1.0 / (1.0 + jnp.exp(neg_s - pos_s))
        mf = -jnp.mean(jnp.log(1e-10 + sig))
        g0u = g0[0:B]
        g0p = g0[B:2 * B]
        g0n = g0[2 * B:3 * B]
        reg = (jnp.sqrt(jnp.sum(g0u * g0u)) + jnp.sqrt(jnp.sum(g0p * g0p))
               + jnp.sqrt(jnp.sum(g0n * g0n))) / B
        n1 = n1_s[...]
        nu2 = l2n(g0u)
        ni2 = l2n(g0p)
        n2 = jnp.concatenate([nu2, ni2], axis=0)
        pos_ = jnp.exp(jnp.sum(n1 * n2, axis=1, keepdims=True) * invT)
        ssl_total = -jnp.sum(jnp.log(pos_ / ttl_s[...]))
        uc = UCr[...]
        ic = ICr[...]
        pos_su = jnp.exp(jnp.sum(nu2 * uc, axis=1) * invT)
        lsu = lax.dot_general(nu2, ucr[...], (((1,), (1,)), ((), ())),
                              preferred_element_type=f32)
        ttl_su = jnp.sum(jnp.exp(lsu * invT), axis=1)
        proto_u = -jnp.sum(jnp.log(pos_su / ttl_su))
        pos_si = jnp.exp(jnp.sum(ni2 * ic, axis=1) * invT)
        lsi = lax.dot_general(ni2, icr[...], (((1,), (1,)), ((), ())),
                              preferred_element_type=f32)
        ttl_si = jnp.sum(jnp.exp(lsi * invT), axis=1)
        proto_i = -jnp.sum(jnp.log(pos_si / ttl_si))
        l0 = mf + 1e-4 * reg
        l1 = 1e-6 * ssl_total
        l2v = 8e-8 * (proto_u + proto_i)
        lane = lax.broadcasted_iota(i32, (1, 128), 1)
        out_ref[...] = jnp.where(
            lane == 0, l0, jnp.where(lane == 1, l1,
                                     jnp.where(lane == 2, l2v, 0.0)))


@jax.jit
def _loss_call(all0p, G0, G1, G2, G3, dog, dig, UC, IC, ucent, icent):
    def full(shape):
        return pl.BlockSpec(shape, lambda i, _s=shape: tuple(0 for _ in _s))
    return pl.pallas_call(
        _loss_body,
        grid=(NSTEP,),
        in_specs=[
            pl.BlockSpec((CH, D), lambda i: (i, 0)),
            full((3 * B, D)), full((3 * B, D)), full((3 * B, D)),
            full((3 * B, D)), full((3 * B, 1)), full((3 * B, 1)),
            full((B, D)), full((B, D)), full((K, D)), full((K, D)),
        ],
        out_specs=pl.BlockSpec((1, 128), lambda i: (0, 0)),
        out_shape=jax.ShapeDtypeStruct((1, 128), f32),
        scratch_shapes=[
            pltpu.VMEM((2 * B, D), f32),
            pltpu.VMEM((2 * B, 1), f32),
        ],
    )(all0p, G0, G1, G2, G3, dog, dig, UC, IC, ucent, icent)


def kernel(user_emb, item_emb, user_centroids, item_centroids, edge_index,
           user_2cluster, item_2cluster, user, pos_item, neg_item):
    all0 = jnp.concatenate([user_emb, item_emb], axis=0)
    all0p = jnp.pad(all0, ((0, NP - NN), (0, 0)))
    all0s = all0p.reshape(NP, NQ, HD).transpose(1, 0, 2)

    ei = edge_index.astype(i32)
    pad = NN + (jnp.arange(E_PAD - E, dtype=i32) % (NP - NN))
    srcp = jnp.concatenate([ei[0], pad])
    dstp = jnp.concatenate([ei[1], pad])
    src3 = srcp.reshape(NTILES, NCH, W)
    dst3 = dstp.reshape(NTILES, NCH, W)
    zeros_h = jnp.zeros((NP, HD), f32)

    deg2 = _deg_call(jnp.stack([src3, dst3], axis=0))
    deg3 = deg2[:, :NP].reshape(2, NP, 1)
    dodi, dido = _prep_call(deg3)
    dof = dodi[0].reshape(NP)
    didof = dido.reshape(NP)

    def scale(tbl, sca):
        return _scalemul_call(tbl.reshape(NQ, NP * HD),
                              sca).reshape(NQ, NP, HD)

    def layer(hs):
        return _layer_call(hs, src3, dst3, zeros_h)

    hs0 = scale(all0s, dof)
    agg1 = layer(hs0)
    hs1 = scale(agg1, didof)
    agg2 = layer(hs1)
    hs2 = scale(agg2, didof)
    agg3 = layer(hs2)

    user32 = user.astype(i32)
    pos32 = pos_item.astype(i32)
    ids_all = jnp.concatenate([user32, pos32 + NU,
                               neg_item.astype(i32) + NU])
    up2 = jnp.stack([user32, pos32], axis=0)
    cc2 = jnp.stack([jnp.pad(user_2cluster.astype(i32), (0, NI - NU)),
                     item_2cluster.astype(i32)], axis=0)
    cent2 = jnp.stack([user_centroids, item_centroids], axis=0)
    G0s, G1s, G2s, G3s, dd, UCIC = _gather_call(
        all0s, hs1, hs2, agg3, dodi, ids_all, up2, cc2, cent2)
    dog = dd[0]
    dig = dd[1]
    UC = UCIC[0]
    IC = UCIC[1]

    def asm(Gq):
        return jnp.concatenate([Gq[q] for q in range(NQ)], axis=1)

    G0 = asm(G0s)
    G1 = asm(G1s)
    G2 = asm(G2s)
    G3 = asm(G3s)

    out = _loss_call(all0p, G0, G1, G2, G3, dog, dig, UC, IC,
                     user_centroids, item_centroids)
    return out[0, :3]

# --- scband reference (transcript-rebuilt; emitter-appended) ---
"""Pipeline reference for scband-ncl-68805376082571 (READ-ONLY COPY).

The authoritative reference and input builder live on the scoring server;
editing this copy changes nothing except your own understanding.
"""

import jax, jax.numpy as jnp
import numpy as np

N_USERS = 20000
N_ITEMS = 30000
N_NODES = N_USERS + N_ITEMS
D = 64
E = 800000
B = 1024
K = 1000
N_LAYERS = 3
HYPER_LAYERS = 1
SSL_TEMP = 0.1
SSL_REG = 1e-6
ALPHA = 1.0
PROTO_REG = 8e-8
REG_WEIGHT = 1e-4


def l2norm(x):
    return x / jnp.maximum(jnp.linalg.norm(x, axis=-1, keepdims=True), 1e-12)


def setup_inputs(seed: int = 0):
    key = jax.random.key(seed)
    ks = jax.random.split(key, 10)
    user = jax.random.randint(ks[0], (B,), 0, N_USERS)
    pos_item = jax.random.randint(ks[1], (B,), 0, N_ITEMS)
    neg_item = jax.random.randint(ks[2], (B,), 0, N_ITEMS)
    edge_index = jax.random.randint(ks[3], (2, E), 0, N_NODES)
    # xavier_normal-ish init for embedding tables
    user_emb = jax.random.normal(ks[4], (N_USERS, D), dtype=jnp.float32) * (2.0 / (N_USERS + D)) ** 0.5
    item_emb = jax.random.normal(ks[5], (N_ITEMS, D), dtype=jnp.float32) * (2.0 / (N_ITEMS + D)) ** 0.5
    # kmeans centroids are L2-normalized in run_kmeans
    user_centroids = l2norm(jax.random.normal(ks[6], (K, D), dtype=jnp.float32))
    item_centroids = l2norm(jax.random.normal(ks[7], (K, D), dtype=jnp.float32))
    user_2cluster = jax.random.randint(ks[8], (N_USERS,), 0, K)
    item_2cluster = jax.random.randint(ks[9], (N_ITEMS,), 0, K)
    return {
        'user_emb': user_emb, 'item_emb': item_emb,
        'user_centroids': user_centroids, 'item_centroids': item_centroids,
        'edge_index': edge_index,
        'user_2cluster': user_2cluster, 'item_2cluster': item_2cluster,
        'user': user, 'pos_item': pos_item, 'neg_item': neg_item,
    }


def gcn_layer(x, src, dst):
    # dgl GraphConv(norm='both', weight=False, bias=False):
    # h = x * D_out^{-1/2}; agg over in-edges; out = agg * D_in^{-1/2}
    ones = jnp.ones((src.shape[0],), x.dtype)
    deg_out = jax.ops.segment_sum(ones, src, num_segments=N_NODES)
    deg_in = jax.ops.segment_sum(ones, dst, num_segments=N_NODES)
    do = jnp.where(deg_out > 0, deg_out, 1.0) ** -0.5
    di = jnp.where(deg_in > 0, deg_in, 1.0) ** -0.5
    h = x * do[:, None]
    agg = jax.ops.segment_sum(h[src], dst, num_segments=N_NODES)
    return agg * di[:, None]


def _forward(user_emb, item_emb, user_centroids, item_centroids, edge_index, user_2cluster, item_2cluster, user, pos_item, neg_item):
    src, dst = edge_index[0], edge_index[1]
    all_emb = jnp.concatenate([user_emb, item_emb], axis=0)
    emb_list = [all_emb]
    h = all_emb
    for _ in range(max(N_LAYERS, HYPER_LAYERS * 2)):
        h = gcn_layer(h, src, dst)
        emb_list.append(h)
    lg = jnp.mean(jnp.stack(emb_list[:N_LAYERS + 1], axis=1), axis=1)
    user_all, item_all = lg[:N_USERS], lg[N_USERS:]
    # BPR loss on propagated embeddings
    u_e = user_all[user]
    pos_e = item_all[pos_item]
    neg_e = item_all[neg_item]
    pos_scores = jnp.sum(u_e * pos_e, axis=1)
    neg_scores = jnp.sum(u_e * neg_e, axis=1)
    mf_loss = -jnp.mean(jnp.log(1e-10 + jax.nn.sigmoid(pos_scores - neg_scores)))
    # EmbLoss (p=2, require_pow=False) on ego embeddings
    reg = (jnp.linalg.norm(user_emb[user]) + jnp.linalg.norm(item_emb[pos_item]) + jnp.linalg.norm(item_emb[neg_item])) / B
    # ssl_layer_loss(context=emb_list[hyper_layers*2], center=emb_list[0])
    center = emb_list[0]
    context = emb_list[HYPER_LAYERS * 2]
    cu, ci = context[:N_USERS], context[N_USERS:]
    pu_all, pi_all = center[:N_USERS], center[N_USERS:]
    n_u1 = l2norm(cu[user]); n_u2 = l2norm(pu_all[user]); n_all_u = l2norm(pu_all)
    pos_u = jnp.exp(jnp.sum(n_u1 * n_u2, axis=1) / SSL_TEMP)
    ttl_u = jnp.sum(jnp.exp(jnp.matmul(n_u1, n_all_u.T) / SSL_TEMP), axis=1)
    ssl_u = -jnp.sum(jnp.log(pos_u / ttl_u))
    n_i1 = l2norm(ci[pos_item]); n_i2 = l2norm(pi_all[pos_item]); n_all_i = l2norm(pi_all)
    pos_i = jnp.exp(jnp.sum(n_i1 * n_i2, axis=1) / SSL_TEMP)
    ttl_i = jnp.sum(jnp.exp(jnp.matmul(n_i1, n_all_i.T) / SSL_TEMP), axis=1)
    ssl_i = -jnp.sum(jnp.log(pos_i / ttl_i))
    ssl_loss = SSL_REG * (ssl_u + ALPHA * ssl_i)
    # ProtoNCE_loss on center embedding
    n_u = l2norm(pu_all[user])
    u2cent = user_centroids[user_2cluster[user]]
    pos_su = jnp.exp(jnp.sum(n_u * u2cent, axis=1) / SSL_TEMP)
    ttl_su = jnp.sum(jnp.exp(jnp.matmul(n_u, user_centroids.T) / SSL_TEMP), axis=1)
    proto_u = -jnp.sum(jnp.log(pos_su / ttl_su))
    n_i = l2norm(pi_all[pos_item])
    i2cent = item_centroids[item_2cluster[pos_item]]
    pos_si = jnp.exp(jnp.sum(n_i * i2cent, axis=1) / SSL_TEMP)
    ttl_si = jnp.sum(jnp.exp(jnp.matmul(n_i, item_centroids.T) / SSL_TEMP), axis=1)
    proto_i = -jnp.sum(jnp.log(pos_si / ttl_si))
    proto_loss = PROTO_REG * (proto_u + proto_i)
    return jnp.stack([mf_loss + REG_WEIGHT * reg, ssl_loss, proto_loss])


def reference(user_emb, item_emb, user_centroids, item_centroids, edge_index, user_2cluster, item_2cluster, user, pos_item, neg_item):
    return _forward(user_emb, item_emb, user_centroids, item_centroids, edge_index, user_2cluster, item_2cluster, user, pos_item, neg_item)

if __name__ == "__main__":
    import jax
    _d = setup_inputs()
    print(jax.jit(kernel)(*tuple(_d.values())))

</pallas_src>

<mosaic_0001>
#map = affine_map<(d0, d1) -> (0, 0, 0, 0)>
#map1 = affine_map<(d0, d1) -> (0, 0)>
module attributes {stable_mosaic.version = 14 : i64} {
  func.func @_deg_body(%arg0: i32, %arg1: i32, %arg2: memref<2x16x391x128xi32, #tpu.memory_space<hbm>>, %arg3: memref<2x57344xf32, #tpu.memory_space<hbm>>, %arg4: memref<391x128xi32, #tpu.memory_space<vmem>>, %arg5: memref<128xf32, #tpu.memory_space<vmem>>, %arg6: memref<3584xf32, #tpu.memory_space<vmem>>, %arg7: memref<57344xf32, #tpu.memory_space<vmem_shared>>, %arg8: memref<!tpu.dma_semaphore, #tpu.memory_space<semaphore_mem>>) attributes {dimension_semantics = [#tpu.dimension_semantics<core_parallel>, #tpu.dimension_semantics<subcore_parallel>], iteration_bounds = array<i64: 2, 16>, scalar_prefetch = 0 : i64, scratch_operands = 5 : i64, tpu.core_type = #tpu.core_type<sc_vector_subcore>, window_params = [{transform_indices = #map}, {transform_indices = #map1}]} {
    "tpu.region"() ({
      %run_scoped3A = tpu.sem_alloc : memref<!tpu.dma_semaphore, #tpu.memory_space<semaphore_mem>>
      %dma_start3A = arith.constant 0 : i32
      %dma_start3A_67 = arith.constant 0 : i32
      %dma_start3A_68 = arith.constant 0 : i32
      %dma_start3A_69 = tpu.memref_slice %arg2[%arg0, %dma_start3A, %dma_start3A_67, %dma_start3A_68] : memref<2x16x391x128xi32, #tpu.memory_space<hbm>> -> memref<1x16x391x128xi32, #tpu.memory_space<hbm>>
      %dma_start3A_70 = tpu.memref_squeeze %dma_start3A_69 : memref<1x16x391x128xi32, #tpu.memory_space<hbm>> -> memref<16x391x128xi32, #tpu.memory_space<hbm>>
      %dma_start3A_71 = arith.constant 0 : i32
      %dma_start3A_72 = arith.constant 0 : i32
      %dma_start3A_73 = tpu.memref_slice %dma_start3A_70[%arg1, %dma_start3A_71, %dma_start3A_72] : memref<16x391x128xi32, #tpu.memory_space<hbm>> -> memref<1x391x128xi32, #tpu.memory_space<hbm>>
      %dma_start3A_74 = tpu.memref_squeeze %dma_start3A_73 : memref<1x391x128xi32, #tpu.memory_space<hbm>> -> memref<391x128xi32, #tpu.memory_space<hbm>>
      %dma_start3A_75 = arith.constant 0 : i32
      %dma_start3A_76 = arith.constant 0 : i32
      %dma_start3A_77 = arith.constant 0 : i32
      %dma_start3A_78 = tpu.memref_slice %arg2[%arg0, %dma_start3A_75, %dma_start3A_76, %dma_start3A_77] : memref<2x16x391x128xi32, #tpu.memory_space<hbm>> -> memref<1x16x391x128xi32, #tpu.memory_space<hbm>>
      %dma_start3A_79 = tpu.memref_squeeze %dma_start3A_78 : memref<1x16x391x128xi32, #tpu.memory_space<hbm>> -> memref<16x391x128xi32, #tpu.memory_space<hbm>>
      %dma_start3A_80 = arith.constant 0 : i32
      %dma_start3A_81 = arith.constant 0 : i32
      %dma_start3A_82 = tpu.memref_slice %dma_start3A_79[%arg1, %dma_start3A_80, %dma_start3A_81] : memref<16x391x128xi32, #tpu.memory_space<hbm>> -> memref<1x391x128xi32, #tpu.memory_space<hbm>>
      %dma_start3A_83 = tpu.memref_squeeze %dma_start3A_82 : memref<1x391x128xi32, #tpu.memory_space<hbm>> -> memref<391x128xi32, #tpu.memory_space<hbm>>
      tpu.enqueue_dma source(%dma_start3A_83 : memref<391x128xi32, #tpu.memory_space<hbm>>) target(%arg4 : memref<391x128xi32, #tpu.memory_space<vmem>>) target_semaphore(%run_scoped3A : memref<!tpu.dma_semaphore, #tpu.memory_space<semaphore_mem>>)
      %dma_wait3A = arith.constant 0 : i32
      %dma_wait3A_84 = arith.constant 0 : i32
      %dma_wait3A_85 = arith.constant 0 : i32
      %dma_wait3A_86 = tpu.memref_slice %arg2[%arg0, %dma_wait3A, %dma_wait3A_84, %dma_wait3A_85] : memref<2x16x391x128xi32, #tpu.memory_space<hbm>> -> memref<1x16x391x128xi32, #tpu.memory_space<hbm>>
      %dma_wait3A_87 = tpu.memref_squeeze %dma_wait3A_86 : memref<1x16x391x128xi32, #tpu.memory_space<hbm>> -> memref<16x391x128xi32, #tpu.memory_space<hbm>>
      %dma_wait3A_88 = arith.constant 0 : i32
      %dma_wait3A_89 = arith.constant 0 : i32
      %dma_wait3A_90 = tpu.memref_slice %dma_wait3A_87[%arg1, %dma_wait3A_88, %dma_wait3A_89] : memref<16x391x128xi32, #tpu.memory_space<hbm>> -> memref<1x391x128xi32, #tpu.memory_space<hbm>>
      %dma_wait3A_91 = tpu.memref_squeeze %dma_wait3A_90 : memref<1x391x128xi32, #tpu.memory_space<hbm>> -> memref<391x128xi32, #tpu.memory_space<hbm>>
      %dma_wait3A_92 = arith.constant 0 : i32
      %dma_wait3A_93 = arith.constant 0 : i32
      %dma_wait3A_94 = arith.constant 0 : i32
      %dma_wait3A_95 = tpu.memref_slice %arg2[%arg0, %dma_wait3A_92, %dma_wait3A_93, %dma_wait3A_94] : memref<2x16x391x128xi32, #tpu.memory_space<hbm>> -> memref<1x16x391x128xi32, #tpu.memory_space<hbm>>
      %dma_wait3A_96 = tpu.memref_squeeze %dma_wait3A_95 : memref<1x16x391x128xi32, #tpu.memory_space<hbm>> -> memref<16x391x128xi32, #tpu.memory_space<hbm>>
      %dma_wait3A_97 = arith.constant 0 : i32
      %dma_wait3A_98 = arith.constant 0 : i32
      %dma_wait3A_99 = tpu.memref_slice %dma_wait3A_96[%arg1, %dma_wait3A_97, %dma_wait3A_98] : memref<16x391x128xi32, #tpu.memory_space<hbm>> -> memref<1x391x128xi32, #tpu.memory_space<hbm>>
      %dma_wait3A_100 = tpu.memref_squeeze %dma_wait3A_99 : memref<1x391x128xi32, #tpu.memory_space<hbm>> -> memref<391x128xi32, #tpu.memory_space<hbm>>
      tpu.wait_dma2 semaphore(%run_scoped3A : memref<!tpu.dma_semaphore, #tpu.memory_space<semaphore_mem>>) src(%dma_wait3A_100 : memref<391x128xi32, #tpu.memory_space<hbm>>) dst(%arg4 : memref<391x128xi32, #tpu.memory_space<vmem>>)
      tpu.yield
    }) : () -> ()
    %broadcast_in_dim3A = arith.constant 0.000000e+00 : f32
    %broadcast_in_dim3A_0 = vector.broadcast %broadcast_in_dim3A : f32 to vector<16xf32>
    %broadcast_in_dim3A_1 = arith.constant 1.000000e+00 : f32
    %broadcast_in_dim3A_2 = vector.broadcast %broadcast_in_dim3A_1 : f32 to vector<16xf32>
    %swap3A = arith.constant 0 : index
    %swap3A_3 = tpu.vector_load %arg5[%swap3A] {strides = array<i32>} : memref<128xf32, #tpu.memory_space<vmem>>, vector<16xf32>,
    %swap3A_4 = vector.shape_cast %swap3A_3 : vector<16xf32> to vector<16xf32>
    %swap3A_5 = vector.shape_cast %broadcast_in_dim3A_2 : vector<16xf32> to vector<16xf32>
    tpu.vector_store %arg5[%swap3A], %swap3A_5 {strides = array<i32>} : memref<128xf32, #tpu.memory_space<vmem>>, vector<16xf32>,
    %broadcast_in_dim3A_6 = arith.constant 1.000000e+00 : f32
    %broadcast_in_dim3A_7 = vector.broadcast %broadcast_in_dim3A_6 : f32 to vector<16xf32>
    %swap3A_8 = arith.constant 16 : index
    %swap3A_9 = tpu.vector_load %arg5[%swap3A_8] {strides = array<i32>} : memref<128xf32, #tpu.memory_space<vmem>>, vector<16xf32>,
    %swap3A_10 = vector.shape_cast %swap3A_9 : vector<16xf32> to vector<16xf32>
    %swap3A_11 = vector.shape_cast %broadcast_in_dim3A_7 : vector<16xf32> to vector<16xf32>
    tpu.vector_store %arg5[%swap3A_8], %swap3A_11 {strides = array<i32>} : memref<128xf32, #tpu.memory_space<vmem>>, vector<16xf32>,
    %broadcast_in_dim3A_12 = arith.constant 1.000000e+00 : f32
    %broadcast_in_dim3A_13 = vector.broadcast %broadcast_in_dim3A_12 : f32 to vector<16xf32>
    %swap3A_14 = arith.constant 32 : index
    %swap3A_15 = tpu.vector_load %arg5[%swap3A_14] {strides = array<i32>} : memref<128xf32, #tpu.memory_space<vmem>>, vector<16xf32>,
    %swap3A_16 = vector.shape_cast %swap3A_15 : vector<16xf32> to vector<16xf32>
    %swap3A_17 = vector.shape_cast %broadcast_in_dim3A_13 : vector<16xf32> to vector<16xf32>
    tpu.vector_store %arg5[%swap3A_14], %swap3A_17 {strides = array<i32>} : memref<128xf32, #tpu.memory_space<vmem>>, vector<16xf32>,
    %broadcast_in_dim3A_18 = arith.constant 1.000000e+00 : f32
    %broadcast_in_dim3A_19 = vector.broadcast %broadcast_in_dim3A_18 : f32 to vector<16xf32>
    %swap3A_20 = arith.constant 48 : index
    %swap3A_21 = tpu.vector_load %arg5[%swap3A_20] {strides = array<i32>} : memref<128xf32, #tpu.memory_space<vmem>>, vector<16xf32>,
    %swap3A_22 = vector.shape_cast %swap3A_21 : vector<16xf32> to vector<16xf32>
    %swap3A_23 = vector.shape_cast %broadcast_in_dim3A_19 : vector<16xf32> to vector<16xf32>
    tpu.vector_store %arg5[%swap3A_20], %swap3A_23 {strides = array<i32>} : memref<128xf32, #tpu.memory_space<vmem>>, vector<16xf32>,
    %broadcast_in_dim3A_24 = arith.constant 1.000000e+00 : f32
    %broadcast_in_dim3A_25 = vector.broadcast %broadcast_in_dim3A_24 : f32 to vector<16xf32>
    %swap3A_26 = arith.constant 64 : index
    %swap3A_27 = tpu.vector_load %arg5[%swap3A_26] {strides = array<i32>} : memref<128xf32, #tpu.memory_space<vmem>>, vector<16xf32>,
    %swap3A_28 = vector.shape_cast %swap3A_27 : vector<16xf32> to vector<16xf32>
    %swap3A_29 = vector.shape_cast %broadcast_in_dim3A_25 : vector<16xf32> to vector<16xf32>
    tpu.vector_store %arg5[%swap3A_26], %swap3A_29 {strides = array<i32>} : memref<128xf32, #tpu.memory_space<vmem>>, vector<16xf32>,
    %broadcast_in_dim3A_30 = arith.constant 1.000000e+00 : f32
    %broadcast_in_dim3A_31 = vector.broadcast %broadcast_in_dim3A_30 : f32 to vector<16xf32>
    %swap3A_32 = arith.constant 80 : index
    %swap3A_33 = tpu.vector_load %arg5[%swap3A_32] {strides = array<i32>} : memref<128xf32, #tpu.memory_space<vmem>>, vector<16xf32>,
    %swap3A_34 = vector.shape_cast %swap3A_33 : vector<16xf32> to vector<16xf32>
    %swap3A_35 = vector.shape_cast %broadcast_in_dim3A_31 : vector<16xf32> to vector<16xf32>
    tpu.vector_store %arg5[%swap3A_32], %swap3A_35 {strides = array<i32>} : memref<128xf32, #tpu.memory_space<vmem>>, vector<16xf32>,
    %broadcast_in_dim3A_36 = arith.constant 1.000000e+00 : f32
    %broadcast_in_dim3A_37 = vector.broadcast %broadcast_in_dim3A_36 : f32 to vector<16xf32>
    %swap3A_38 = arith.constant 96 : index
    %swap3A_39 = tpu.vector_load %arg5[%swap3A_38] {strides = array<i32>} : memref<128xf32, #tpu.memory_space<vmem>>, vector<16xf32>,
    %swap3A_40 = vector.shape_cast %swap3A_39 : vector<16xf32> to vector<16xf32>
    %swap3A_41 = vector.shape_cast %broadcast_in_dim3A_37 : vector<16xf32> to vector<16xf32>
    tpu.vector_store %arg5[%swap3A_38], %swap3A_41 {strides = array<i32>} : memref<128xf32, #tpu.memory_space<vmem>>, vector<16xf32>,
    %broadcast_in_dim3A_42 = arith.constant 1.000000e+00 : f32
    %broadcast_in_dim3A_43 = vector.broadcast %broadcast_in_dim3A_42 : f32 to vector<16xf32>
    %swap3A_44 = arith.constant 112 : index
    %swap3A_45 = tpu.vector_load %arg5[%swap3A_44] {strides = array<i32>} : memref<128xf32, #tpu.memory_space<vmem>>, vector<16xf32>,
    %swap3A_46 = vector.shape_cast %swap3A_45 : vector<16xf32> to vector<16xf32>
    %swap3A_47 = vector.shape_cast %broadcast_in_dim3A_43 : vector<16xf32> to vector<16xf32>
    tpu.vector_store %arg5[%swap3A_44], %swap3A_47 {strides = array<i32>} : memref<128xf32, #tpu.memory_space<vmem>>, vector<16xf32>,
    %scan3A = arith.constant 0 : i32
    %scan3A_48 = arith.constant 0 : i32
    %scan3A_49 = arith.constant 224 : i32
    %scan3A_50 = arith.addi %scan3A_48, %scan3A_49 : i32
    %scan3A_51 = arith.constant 1 : i32
    %scan3A_52 = scf.for %scan3A_67 = %scan3A_48 to %scan3A_50 step %scan3A_51 iter_args(%scan3A_68 = %scan3A) -> (i32)  : i32 {
      %mul3A_69 = arith.constant 16 : i32
      %mul3A_70 = arith.muli %scan3A_67, %mul3A_69 : i32
      %swap3A_71 = arith.index_cast %mul3A_70 : i32 to index
      %swap3A_72 = tpu.vector_load %arg6[%swap3A_71] {strides = array<i32>} : memref<3584xf32, #tpu.memory_space<vmem>>, vector<16xf32>,
      %swap3A_73 = vector.shape_cast %swap3A_72 : vector<16xf32> to vector<16xf32>
      %swap3A_74 = vector.shape_cast %broadcast_in_dim3A_0 : vector<16xf32> to vector<16xf32>
      tpu.vector_store %arg6[%swap3A_71], %swap3A_74 {strides = array<i32>} : memref<3584xf32, #tpu.memory_space<vmem>>, vector<16xf32>,
      %scan3A_75 = arith.constant 0 : i32
      scf.yield %scan3A_75 : i32
    }
    %scan3A_53 = arith.constant 224 : i32
    %mul3A = arith.constant 3584 : i32
    %mul3A_54 = arith.muli %arg1, %mul3A : i32
    "tpu.region"() ({
      %run_scoped3A = tpu.sem_alloc : memref<!tpu.dma_semaphore, #tpu.memory_space<semaphore_mem>>
      %dma_start3A = tpu.memref_slice %arg7[%mul3A_54] : memref<57344xf32, #tpu.memory_space<vmem_shared>> -> memref<3584xf32, #tpu.memory_space<vmem_shared>>
      %dma_start3A_67 = tpu.memref_slice %arg7[%mul3A_54] : memref<57344xf32, #tpu.memory_space<vmem_shared>> -> memref<3584xf32, #tpu.memory_space<vmem_shared>>
      tpu.enqueue_dma source(%arg6 : memref<3584xf32, #tpu.memory_space<vmem>>) target(%dma_start3A_67 : memref<3584xf32, #tpu.memory_space<vmem_shared>>) target_semaphore(%run_scoped3A : memref<!tpu.dma_semaphore, #tpu.memory_space<semaphore_mem>>)
      %dma_wait3A = tpu.memref_slice %arg7[%mul3A_54] : memref<57344xf32, #tpu.memory_space<vmem_shared>> -> memref<3584xf32, #tpu.memory_space<vmem_shared>>
      %dma_wait3A_68 = tpu.memref_slice %arg7[%mul3A_54] : memref<57344xf32, #tpu.memory_space<vmem_shared>> -> memref<3584xf32, #tpu.memory_space<vmem_shared>>
      tpu.wait_dma2 semaphore(%run_scoped3A : memref<!tpu.dma_semaphore, #tpu.memory_space<semaphore_mem>>) src(%arg6 : memref<3584xf32, #tpu.memory_space<vmem>>) dst(%dma_wait3A_68 : memref<3584xf32, #tpu.memory_space<vmem_shared>>)
      tpu.yield
    }) : () -> ()
    %barrier3A = arith.constant 0 : index
    tpu.barrier barrier_id(%barrier3A)
    %scan3A_55 = arith.constant 0 : i32
    %scan3A_56 = arith.constant 0 : i32
    %scan3A_57 = arith.constant 23 : i32
    %scan3A_58 = arith.addi %scan3A_56, %scan3A_57 : i32
    %scan3A_59 = arith.constant 1 : i32
    %scan3A_60 = scf.for %scan3A_67 = %scan3A_56 to %scan3A_58 step %scan3A_59 iter_args(%scan3A_68 = %scan3A_55) -> (i32)  : i32 {
      %mul3A_69 = arith.constant 17 : i32
      %mul3A_70 = arith.muli %scan3A_67, %mul3A_69 : i32
      %add3A = arith.constant 0 : i32
      %add3A_71 = arith.addi %mul3A_70, %add3A : i32
      %dma_start3A = arith.constant 0 : i32
      %dma_start3A_72 = tpu.memref_slice %arg4[%add3A_71, %dma_start3A] : memref<391x128xi32, #tpu.memory_space<vmem>> -> memref<1x128xi32, #tpu.memory_space<vmem>>
      %dma_start3A_73 = tpu.memref_squeeze %dma_start3A_72 : memref<1x128xi32, #tpu.memory_space<vmem>> -> memref<128xi32, #tpu.memory_space<vmem>>
      %dma_start3A_74 = arith.constant 0 : i32
      %dma_start3A_75 = tpu.memref_slice %arg7[%dma_start3A_74] : memref<57344xf32, #tpu.memory_space<vmem_shared>> -> memref<57344xf32, #tpu.memory_space<vmem_shared>>
      tpu.enqueue_indirect_dma source(%arg5 : memref<128xf32, #tpu.memory_space<vmem>>) target(%dma_start3A_75 : memref<57344xf32, #tpu.memory_space<vmem_shared>>) offsets(%dma_start3A_73 : memref<128xi32, #tpu.memory_space<vmem>>) semaphore(%arg8 : memref<!tpu.dma_semaphore, #tpu.memory_space<semaphore_mem>>) {add = true}
      %mul3A_76 = arith.constant 17 : i32
      %mul3A_77 = arith.muli %scan3A_67, %mul3A_76 : i32
      %add3A_78 = arith.constant 1 : i32
      %add3A_79 = arith.addi %mul3A_77, %add3A_78 : i32
      %dma_start3A_80 = arith.constant 0 : i32
      %dma_start3A_81 = tpu.memref_slice %arg4[%add3A_79, %dma_start3A_80] : memref<391x128xi32, #tpu.memory_space<vmem>> -> memref<1x128xi32, #tpu.memory_space<vmem>>
      %dma_start3A_82 = tpu.memref_squeeze %dma_start3A_81 : memref<1x128xi32, #tpu.memory_space<vmem>> -> memref<128xi32, #tpu.memory_space<vmem>>
      %dma_start3A_83 = arith.constant 0 : i32
      %dma_start3A_84 = tpu.memref_slice %arg7[%dma_start3A_83] : memref<57344xf32, #tpu.memory_space<vmem_shared>> -> memref<57344xf32, #tpu.memory_space<vmem_shared>>
      tpu.enqueue_indirect_dma source(%arg5 : memref<128xf32, #tpu.memory_space<vmem>>) target(%dma_start3A_84 : memref<57344xf32, #tpu.memory_space<vmem_shared>>) offsets(%dma_start3A_82 : memref<128xi32, #tpu.memory_space<vmem>>) semaphore(%arg8 : memref<!tpu.dma_semaphore, #tpu.memory_space<semaphore_mem>>) {add = true}
      %mul3A_85 = arith.constant 17 : i32
      %mul3A_86 = arith.muli %scan3A_67, %mul3A_85 : i32
      %add3A_87 = arith.constant 2 : i32
      %add3A_88 = arith.addi %mul3A_86, %add3A_87 : i32
      %dma_start3A_89 = arith.constant 0 : i32
      %dma_start3A_90 = tpu.memref_slice %arg4[%add3A_88, %dma_start3A_89] : memref<391x128xi32, #tpu.memory_space<vmem>> -> memref<1x128xi32, #tpu.memory_space<vmem>>
      %dma_start3A_91 = tpu.memref_squeeze %dma_start3A_90 : memref<1x128xi32, #tpu.memory_space<vmem>> -> memref<128xi32, #tpu.memory_space<vmem>>
      %dma_start3A_92 = arith.constant 0 : i32
      %dma_start3A_93 = tpu.memref_slice %arg7[%dma_start3A_92] : memref<57344xf32, #tpu.memory_space<vmem_shared>> -> memref<57344xf32, #tpu.memory_space<vmem_shared>>
      tpu.enqueue_indirect_dma source(%arg5 : memref<128xf32, #tpu.memory_space<vmem>>) target(%dma_start3A_93 : memref<57344xf32, #tpu.memory_space<vmem_shared>>) offsets(%dma_start3A_91 : memref<128xi32, #tpu.memory_space<vmem>>) semaphore(%arg8 : memref<!tpu.dma_semaphore, #tpu.memory_space<semaphore_mem>>) {add = true}
      %mul3A_94 = arith.constant 17 : i32
      %mul3A_95 = arith.muli %scan3A_67, %mul3A_94 : i32
      %add3A_96 = arith.constant 3 : i32
      %add3A_97 = arith.addi %mul3A_95, %add3A_96 : i32
      %dma_start3A_98 = arith.constant 0 : i32
      %dma_start3A_99 = tpu.memref_slice %arg4[%add3A_97, %dma_start3A_98] : memref<391x128xi32, #tpu.memory_space<vmem>> -> memref<1x128xi32, #tpu.memory_space<vmem>>
      %dma_start3A_100 = tpu.memref_squeeze %dma_start3A_99 : memref<1x128xi32, #tpu.memory_space<vmem>> -> memref<128xi32, #tpu.memory_space<vmem>>
      %dma_start3A_101 = arith.constant 0 : i32
      %dma_start3A_102 = tpu.memref_slice %arg7[%dma_start3A_101] : memref<57344xf32, #tpu.memory_space<vmem_shared>> -> memref<57344xf32, #tpu.memory_space<vmem_shared>>
      tpu.enqueue_indirect_dma source(%arg5 : memref<128xf32, #tpu.memory_space<vmem>>) target(%dma_start3A_102 : memref<57344xf32, #tpu.memory_space<vmem_shared>>) offsets(%dma_start3A_100 : memref<128xi32, #tpu.memory_space<vmem>>) semaphore(%arg8 : memref<!tpu.dma_semaphore, #tpu.memory_space<semaphore_mem>>) {add = true}
      %mul3A_103 = arith.constant 17 : i32
      %mul3A_104 = arith.muli %scan3A_67, %mul3A_103 : i32
      %add3A_105 = arith.constant 4 : i32
      %add3A_106 = arith.addi %mul3A_104, %add3A_105 : i32
      %dma_start3A_107 = arith.constant 0 : i32
      %dma_start3A_108 = tpu.memref_slice %arg4[%add3A_106, %dma_start3A_107] : memref<391x128xi32, #tpu.memory_space<vmem>> -> memref<1x128xi32, #tpu.memory_space<vmem>>
      %dma_start3A_109 = tpu.memref_squeeze %dma_start3A_108 : memref<1x128xi32, #tpu.memory_space<vmem>> -> memref<128xi32, #tpu.memory_space<vmem>>
      %dma_start3A_110 = arith.constant 0 : i32
      %dma_start3A_111 = tpu.memref_slice %arg7[%dma_start3A_110] : memref<57344xf32, #tpu.memory_space<vmem_shared>> -> memref<57344xf32, #tpu.memory_space<vmem_shared>>
      tpu.enqueue_indirect_dma source(%arg5 : memref<128xf32, #tpu.memory_space<vmem>>) target(%dma_start3A_111 : memref<57344xf32, #tpu.memory_space<vmem_shared>>) offsets(%dma_start3A_109 : memref<128xi32, #tpu.memory_space<vmem>>) semaphore(%arg8 : memref<!tpu.dma_semaphore, #tpu.memory_space<semaphore_mem>>) {add = true}
      %mul3A_112 = arith.constant 17 : i32
      %mul3A_113 = arith.muli %scan3A_67, %mul3A_112 : i32
      %add3A_114 = arith.constant 5 : i32
      %add3A_115 = arith.addi %mul3A_113, %add3A_114 : i32
      %dma_start3A_116 = arith.constant 0 : i32
      %dma_start3A_117 = tpu.memref_slice %arg4[%add3A_115, %dma_start3A_116] : memref<391x128xi32, #tpu.memory_space<vmem>> -> memref<1x128xi32, #tpu.memory_space<vmem>>
      %dma_start3A_118 = tpu.memref_squeeze %dma_start3A_117 : memref<1x128xi32, #tpu.memory_space<vmem>> -> memref<128xi32, #tpu.memory_space<vmem>>
      %dma_start3A_119 = arith.constant 0 : i32
      %dma_start3A_120 = tpu.memref_slice %arg7[%dma_start3A_119] : memref<57344xf32, #tpu.memory_space<vmem_shared>> -> memref<57344xf32, #tpu.memory_space<vmem_shared>>
      tpu.enqueue_indirect_dma source(%arg5 : memref<128xf32, #tpu.memory_space<vmem>>) target(%dma_start3A_120 : memref<57344xf32, #tpu.memory_space<vmem_shared>>) offsets(%dma_start3A_118 : memref<128xi32, #tpu.memory_space<vmem>>) semaphore(%arg8 : memref<!tpu.dma_semaphore, #tpu.memory_space<semaphore_mem>>) {add = true}
      %mul3A_121 = arith.constant 17 : i32
      %mul3A_122 = arith.muli %scan3A_67, %mul3A_121 : i32
      %add3A_123 = arith.constant 6 : i32
      %add3A_124 = arith.addi %mul3A_122, %add3A_123 : i32
      %dma_start3A_125 = arith.constant 0 : i32
      %dma_start3A_126 = tpu.memref_slice %arg4[%add3A_124, %dma_start3A_125] : memref<391x128xi32, #tpu.memory_space<vmem>> -> memref<1x128xi32, #tpu.memory_space<vmem>>
      %dma_start3A_127 = tpu.memref_squeeze %dma_start3A_126 : memref<1x128xi32, #tpu.memory_space<vmem>> -> memref<128xi32, #tpu.memory_space<vmem>>
      %dma_start3A_128 = arith.constant 0 : i32
      %dma_start3A_129 = tpu.memref_slice %arg7[%dma_start3A_128] : memref<57344xf32, #tpu.memory_space<vmem_shared>> -> memref<57344xf32, #tpu.memory_space<vmem_shared>>
      tpu.enqueue_indirect_dma source(%arg5 : memref<128xf32, #tpu.memory_space<vmem>>) target(%dma_start3A_129 : memref<57344xf32, #tpu.memory_space<vmem_shared>>) offsets(%dma_start3A_127 : memref<128xi32, #tpu.memory_space<vmem>>) semaphore(%arg8 : memref<!tpu.dma_semaphore, #tpu.memory_space<semaphore_mem>>) {add = true}
      %mul3A_130 = arith.constant 17 : i32
      %mul3A_131 = arith.muli %scan3A_67, %mul3A_130 : i32
      %add3A_132 = arith.constant 7 : i32
      %add3A_133 = arith.addi %mul3A_131, %add3A_132 : i32
      %dma_start3A_134 = arith.constant 0 : i32
      %dma_start3A_135 = tpu.memref_slice %arg4[%add3A_133, %dma_start3A_134] : memref<391x128xi32, #tpu.memory_space<vmem>> -> memref<1x128xi32, #tpu.memory_space<vmem>>
      %dma_start3A_136 = tpu.memref_squeeze %dma_start3A_135 : memref<1x128xi32, #tpu.memory_space<vmem>> -> memref<128xi32, #tpu.memory_space<vmem>>
      %dma_start3A_137 = arith.constant 0 : i32
      %dma_start3A_138 = tpu.memref_slice %arg7[%dma_start3A_137] : memref<57344xf32, #tpu.memory_space<vmem_shared>> -> memref<57344xf32, #tpu.memory_space<vmem_shared>>
      tpu.enqueue_indirect_dma source(%arg5 : memref<128xf32, #tpu.memory_space<vmem>>) target(%dma_start3A_138 : memref<57344xf32, #tpu.memory_space<vmem_shared>>) offsets(%dma_start3A_136 : memref<128xi32, #tpu.memory_space<vmem>>) semaphore(%arg8 : memref<!tpu.dma_semaphore, #tpu.memory_space<semaphore_mem>>) {add = true}
      %mul3A_139 = arith.constant 17 : i32
      %mul3A_140 = arith.muli %scan3A_67, %mul3A_139 : i32
      %add3A_141 = arith.constant 8 : i32
      %add3A_142 = arith.addi %mul3A_140, %add3A_141 : i32
      %dma_start3A_143 = arith.constant 0 : i32
      %dma_start3A_144 = tpu.memref_slice %arg4[%add3A_142, %dma_start3A_143] : memref<391x128xi32, #tpu.memory_space<vmem>> -> memref<1x128xi32, #tpu.memory_space<vmem>>
      %dma_start3A_145 = tpu.memref_squeeze %dma_start3A_144 : memref<1x128xi32, #tpu.memory_space<vmem>> -> memref<128xi32, #tpu.memory_space<vmem>>
      %dma_start3A_146 = arith.constant 0 : i32
      %dma_start3A_147 = tpu.memref_slice %arg7[%dma_start3A_146] : memref<57344xf32, #tpu.memory_space<vmem_shared>> -> memref<57344xf32, #tpu.memory_space<vmem_shared>>
      tpu.enqueue_indirect_dma source(%arg5 : memref<128xf32, #tpu.memory_space<vmem>>) target(%dma_start3A_147 : memref<57344xf32, #tpu.memory_space<vmem_shared>>) offsets(%dma_start3A_145 : memref<128xi32, #tpu.memory_space<vmem>>) semaphore(%arg8 : memref<!tpu.dma_semaphore, #tpu.memory_space<semaphore_mem>>) {add = true}
      %mul3A_148 = arith.constant 17 : i32
      %mul3A_149 = arith.muli %scan3A_67, %mul3A_148 : i32
      %add3A_150 = arith.constant 9 : i32
      %add3A_151 = arith.addi %mul3A_149, %add3A_150 : i32
      %dma_start3A_152 = arith.constant 0 : i32
      %dma_start3A_153 = tpu.memref_slice %arg4[%add3A_151, %dma_start3A_152] : memref<391x128xi32, #tpu.memory_space<vmem>> -> memref<1x128xi32, #tpu.memory_space<vmem>>
      %dma_start3A_154 = tpu.memref_squeeze %dma_start3A_153 : memref<1x128xi32, #tpu.memory_space<vmem>> -> memref<128xi32, #tpu.memory_space<vmem>>
      %dma_start3A_155 = arith.constant 0 : i32
      %dma_start3A_156 = tpu.memref_slice %arg7[%dma_start3A_155] : memref<57344xf32, #tpu.memory_space<vmem_shared>> -> memref<57344xf32, #tpu.memory_space<vmem_shared>>
      tpu.enqueue_indirect_dma source(%arg5 : memref<128xf32, #tpu.memory_space<vmem>>) target(%dma_start3A_156 : memref<57344xf32, #tpu.memory_space<vmem_shared>>) offsets(%dma_start3A_154 : memref<128xi32, #tpu.memory_space<vmem>>) semaphore(%arg8 : memref<!tpu.dma_semaphore, #tpu.memory_space<semaphore_mem>>) {add = true}
      %mul3A_157 = arith.constant 17 : i32
      %mul3A_158 = arith.muli %scan3A_67, %mul3A_157 : i32
      %add3A_159 = arith.constant 10 : i32
      %add3A_160 = arith.addi %mul3A_158, %add3A_159 : i32
      %dma_start3A_161 = arith.constant 0 : i32
      %dma_start3A_162 = tpu.memref_slice %arg4[%add3A_160, %dma_start3A_161] : memref<391x128xi32, #tpu.memory_space<vmem>> -> memref<1x128xi32, #tpu.memory_space<vmem>>
      %dma_start3A_163 = tpu.memref_squeeze %dma_start3A_162 : memref<1x128xi32, #tpu.memory_space<vmem>> -> memref<128xi32, #tpu.memory_space<vmem>>
      %dma_start3A_164 = arith.constant 0 : i32
      %dma_start3A_165 = tpu.memref_slice %arg7[%dma_start3A_164] : memref<57344xf32, #tpu.memory_space<vmem_shared>> -> memref<57344xf32, #tpu.memory_space<vmem_shared>>
      tpu.enqueue_indirect_dma source(%arg5 : memref<128xf32, #tpu.memory_space<vmem>>) target(%dma_start3A_165 : memref<57344xf32, #tpu.memory_space<vmem_shared>>) offsets(%dma_start3A_163 : memref<128xi32, #tpu.memory_space<vmem>>) semaphore(%arg8 : memref<!tpu.dma_semaphore, #tpu.memory_space<semaphore_mem>>) {add = true}
      %mul3A_166 = arith.constant 17 : i32
      %mul3A_167 = arith.muli %scan3A_67, %mul3A_166 : i32
      %add3A_168 = arith.constant 11 : i32
      %add3A_169 = arith.addi %mul3A_167, %add3A_168 : i32
      %dma_start3A_170 = arith.constant 0 : i32
      %dma_start3A_171 = tpu.memref_slice %arg4[%add3A_169, %dma_start3A_170] : memref<391x128xi32, #tpu.memory_space<vmem>> -> memref<1x128xi32, #tpu.memory_space<vmem>>
      %dma_start3A_172 = tpu.memref_squeeze %dma_start3A_171 : memref<1x128xi32, #tpu.memory_space<vmem>> -> memref<128xi32, #tpu.memory_space<vmem>>
      %dma_start3A_173 = arith.constant 0 : i32
      %dma_start3A_174 = tpu.memref_slice %arg7[%dma_start3A_173] : memref<57344xf32, #tpu.memory_space<vmem_shared>> -> memref<57344xf32, #tpu.memory_space<vmem_shared>>
      tpu.enqueue_indirect_dma source(%arg5 : memref<128xf32, #tpu.memory_space<vmem>>) target(%dma_start3A_174 : memref<57344xf32, #tpu.memory_space<vmem_shared>>) offsets(%dma_start3A_172 : memref<128xi32, #tpu.memory_space<vmem>>) semaphore(%arg8 : memref<!tpu.dma_semaphore, #tpu.memory_space<semaphore_mem>>) {add = true}
      %mul3A_175 = arith.constant 17 : i32
      %mul3A_176 = arith.muli %scan3A_67, %mul3A_175 : i32
      %add3A_177 = arith.constant 12 : i32
      %add3A_178 = arith.addi %mul3A_176, %add3A_177 : i32
      %dma_start3A_179 = arith.constant 0 : i32
      %dma_start3A_180 = tpu.memref_slice %arg4[%add3A_178, %dma_start3A_179] : memref<391x128xi32, #tpu.memory_space<vmem>> -> memref<1x128xi32, #tpu.memory_space<vmem>>
      %dma_start3A_181 = tpu.memref_squeeze %dma_start3A_180 : memref<1x128xi32, #tpu.memory_space<vmem>> -> memref<128xi32, #tpu.memory_space<vmem>>
      %dma_start3A_182 = arith.constant 0 : i32
      %dma_start3A_183 = tpu.memref_slice %arg7[%dma_start3A_182] : memref<57344xf32, #tpu.memory_space<vmem_shared>> -> memref<57344xf32, #tpu.memory_space<vmem_shared>>
      tpu.enqueue_indirect_dma source(%arg5 : memref<128xf32, #tpu.memory_space<vmem>>) target(%dma_start3A_183 : memref<57344xf32, #tpu.memory_space<vmem_shared>>) offsets(%dma_start3A_181 : memref<128xi32, #tpu.memory_space<vmem>>) semaphore(%arg8 : memref<!tpu.dma_semaphore, #tpu.memory_space<semaphore_mem>>) {add = true}
      %mul3A_184 = arith.constant 17 : i32
      %mul3A_185 = arith.muli %scan3A_67, %mul3A_184 : i32
      %add3A_186 = arith.constant 13 : i32
      %add3A_187 = arith.addi %mul3A_185, %add3A_186 : i32
      %dma_start3A_188 = arith.constant 0 : i32
      %dma_start3A_189 = tpu.memref_slice %arg4[%add3A_187, %dma_start3A_188] : memref<391x128xi32, #tpu.memory_space<vmem>> -> memref<1x128xi32, #tpu.memory_space<vmem>>
      %dma_start3A_190 = tpu.memref_squeeze %dma_start3A_189 : memref<1x128xi32, #tpu.memory_space<vmem>> -> memref<128xi32, #tpu.memory_space<vmem>>
      %dma_start3A_191 = arith.constant 0 : i32
      %dma_start3A_192 = tpu.memref_slice %arg7[%dma_start3A_191] : memref<57344xf32, #tpu.memory_space<vmem_shared>> -> memref<57344xf32, #tpu.memory_space<vmem_shared>>
      tpu.enqueue_indirect_dma source(%arg5 : memref<128xf32, #tpu.memory_space<vmem>>) target(%dma_start3A_192 : memref<57344xf32, #tpu.memory_space<vmem_shared>>) offsets(%dma_start3A_190 : memref<128xi32, #tpu.memory_space<vmem>>) semaphore(%arg8 : memref<!tpu.dma_semaphore, #tpu.memory_space<semaphore_mem>>) {add = true}
      %mul3A_193 = arith.constant 17 : i32
      %mul3A_194 = arith.muli %scan3A_67, %mul3A_193 : i32
      %add3A_195 = arith.constant 14 : i32
      %add3A_196 = arith.addi %mul3A_194, %add3A_195 : i32
      %dma_start3A_197 = arith.constant 0 : i32
      %dma_start3A_198 = tpu.memref_slice %arg4[%add3A_196, %dma_start3A_197] : memref<391x128xi32, #tpu.memory_space<vmem>> -> memref<1x128xi32, #tpu.memory_space<vmem>>
      %dma_start3A_199 = tpu.memref_squeeze %dma_start3A_198 : memref<1x128xi32, #tpu.memory_space<vmem>> -> memref<128xi32, #tpu.memory_space<vmem>>
      %dma_start3A_200 = arith.constant 0 : i32
      %dma_start3A_201 = tpu.memref_slice %arg7[%dma_start3A_200] : memref<57344xf32, #tpu.memory_space<vmem_shared>> -> memref<57344xf32, #tpu.memory_space<vmem_shared>>
      tpu.enqueue_indirect_dma source(%arg5 : memref<128xf32, #tpu.memory_space<vmem>>) target(%dma_start3A_201 : memref<57344xf32, #tpu.memory_space<vmem_shared>>) offsets(%dma_start3A_199 : memref<128xi32, #tpu.memory_space<vmem>>) semaphore(%arg8 : memref<!tpu.dma_semaphore, #tpu.memory_space<semaphore_mem>>) {add = true}
      %mul3A_202 = arith.constant 17 : i32
      %mul3A_203 = arith.muli %scan3A_67, %mul3A_202 : i32
      %add3A_204 = arith.constant 15 : i32
      %add3A_205 = arith.addi %mul3A_203, %add3A_204 : i32
      %dma_start3A_206 = arith.constant 0 : i32
      %dma_start3A_207 = tpu.memref_slice %arg4[%add3A_205, %dma_start3A_206] : memref<391x128xi32, #tpu.memory_space<vmem>> -> memref<1x128xi32, #tpu.memory_space<vmem>>
      %dma_start3A_208 = tpu.memref_squeeze %dma_start3A_207 : memref<1x128xi32, #tpu.memory_space<vmem>> -> memref<128xi32, #tpu.memory_space<vmem>>
      %dma_start3A_209 = arith.constant 0 : i32
      %dma_start3A_210 = tpu.memref_slice %arg7[%dma_start3A_209] : memref<57344xf32, #tpu.memory_space<vmem_shared>> -> memref<57344xf32, #tpu.memory_space<vmem_shared>>
      tpu.enqueue_indirect_dma source(%arg5 : memref<128xf32, #tpu.memory_space<vmem>>) target(%dma_start3A_210 : memref<57344xf32, #tpu.memory_space<vmem_shared>>) offsets(%dma_start3A_208 : memref<128xi32, #tpu.memory_space<vmem>>) semaphore(%arg8 : memref<!tpu.dma_semaphore, #tpu.memory_space<semaphore_mem>>) {add = true}
      %mul3A_211 = arith.constant 17 : i32
      %mul3A_212 = arith.muli %scan3A_67, %mul3A_211 : i32
      %add3A_213 = arith.constant 16 : i32
      %add3A_214 = arith.addi %mul3A_212, %add3A_213 : i32
      %dma_start3A_215 = arith.constant 0 : i32
      %dma_start3A_216 = tpu.memref_slice %arg4[%add3A_214, %dma_start3A_215] : memref<391x128xi32, #tpu.memory_space<vmem>> -> memref<1x128xi32, #tpu.memory_space<vmem>>
      %dma_start3A_217 = tpu.memref_squeeze %dma_start3A_216 : memref<1x128xi32, #tpu.memory_space<vmem>> -> memref<128xi32, #tpu.memory_space<vmem>>
      %dma_start3A_218 = arith.constant 0 : i32
      %dma_start3A_219 = tpu.memref_slice %arg7[%dma_start3A_218] : memref<57344xf32, #tpu.memory_space<vmem_shared>> -> memref<57344xf32, #tpu.memory_space<vmem_shared>>
      tpu.enqueue_indirect_dma source(%arg5 : memref<128xf32, #tpu.memory_space<vmem>>) target(%dma_start3A_219 : memref<57344xf32, #tpu.memory_space<vmem_shared>>) offsets(%dma_start3A_217 : memref<128xi32, #tpu.memory_space<vmem>>) semaphore(%arg8 : memref<!tpu.dma_semaphore, #tpu.memory_space<semaphore_mem>>) {add = true}
      %dma_wait3A = arith.constant 0 : i32
      %dma_wait3A_220 = arith.constant 0 : i32
      %dma_wait3A_221 = tpu.memref_slice %arg4[%dma_wait3A, %dma_wait3A_220] : memref<391x128xi32, #tpu.memory_space<vmem>> -> memref<1x128xi32, #tpu.memory_space<vmem>>
      %dma_wait3A_222 = tpu.memref_squeeze %dma_wait3A_221 : memref<1x128xi32, #tpu.memory_space<vmem>> -> memref<128xi32, #tpu.memory_space<vmem>>
      %dma_wait3A_223 = arith.constant 0 : i32
      %dma_wait3A_224 = tpu.memref_slice %arg7[%dma_wait3A_223] : memref<57344xf32, #tpu.memory_space<vmem_shared>> -> memref<57344xf32, #tpu.memory_space<vmem_shared>>
      tpu.wait_indirect_dma semaphore(%arg8 : memref<!tpu.dma_semaphore, #tpu.memory_space<semaphore_mem>>) src(%arg5 : memref<128xf32, #tpu.memory_space<vmem>>) dst(%dma_wait3A_224 : memref<57344xf32, #tpu.memory_space<vmem_shared>>)
      %dma_wait3A_225 = arith.constant 0 : i32
      %dma_wait3A_226 = arith.constant 0 : i32
      %dma_wait3A_227 = tpu.memref_slice %arg4[%dma_wait3A_225, %dma_wait3A_226] : memref<391x128xi32, #tpu.memory_space<vmem>> -> memref<1x128xi32, #tpu.memory_space<vmem>>
      %dma_wait3A_228 = tpu.memref_squeeze %dma_wait3A_227 : memref<1x128xi32, #tpu.memory_space<vmem>> -> memref<128xi32, #tpu.memory_space<vmem>>
      %dma_wait3A_229 = arith.constant 0 : i32
      %dma_wait3A_230 = tpu.memref_slice %arg7[%dma_wait3A_229] : memref<57344xf32, #tpu.memory_space<vmem_shared>> -> memref<57344xf32, #tpu.memory_space<vmem_shared>>
      tpu.wait_indirect_dma semaphore(%arg8 : memref<!tpu.dma_semaphore, #tpu.memory_space<semaphore_mem>>) src(%arg5 : memref<128xf32, #tpu.memory_space<vmem>>) dst(%dma_wait3A_230 : memref<57344xf32, #tpu.memory_space<vmem_shared>>)
      %dma_wait3A_231 = arith.constant 0 : i32
      %dma_wait3A_232 = arith.constant 0 : i32
      %dma_wait3A_233 = tpu.memref_slice %arg4[%dma_wait3A_231, %dma_wait3A_232] : memref<391x128xi32, #tpu.memory_space<vmem>> -> memref<1x128xi32, #tpu.memory_space<vmem>>
      %dma_wait3A_234 = tpu.memref_squeeze %dma_wait3A_233 : memref<1x128xi32, #tpu.memory_space<vmem>> -> memref<128xi32, #tpu.memory_space<vmem>>
      %dma_wait3A_235 = arith.constant 0 : i32
      %dma_wait3A_236 = tpu.memref_slice %arg7[%dma_wait3A_235] : memref<57344xf32, #tpu.memory_space<vmem_shared>> -> memref<57344xf32, #tpu.memory_space<vmem_shared>>
      tpu.wait_indirect_dma semaphore(%arg8 : memref<!tpu.dma_semaphore, #tpu.memory_space<semaphore_mem>>) src(%arg5 : memref<128xf32, #tpu.memory_space<vmem>>) dst(%dma_wait3A_236 : memref<57344xf32, #tpu.memory_space<vmem_shared>>)
      %dma_wait3A_237 = arith.constant 0 : i32
      %dma_wait3A_238 = arith.constant 0 : i32
      %dma_wait3A_239 = tpu.memref_slice %arg4[%dma_wait3A_237, %dma_wait3A_238] : memref<391x128xi32, #tpu.memory_space<vmem>> -> memref<1x128xi32, #tpu.memory_space<vmem>>
      %dma_wait3A_240 = tpu.memref_squeeze %dma_wait3A_239 : memref<1x128xi32, #tpu.memory_space<vmem>> -> memref<128xi32, #tpu.memory_space<vmem>>
      %dma_wait3A_241 = arith.constant 0 : i32
      %dma_wait3A_242 = tpu.memref_slice %arg7[%dma_wait3A_241] : memref<57344xf32, #tpu.memory_space<vmem_shared>> -> memref<57344xf32, #tpu.memory_space<vmem_shared>>
      tpu.wait_indirect_dma semaphore(%arg8 : memref<!tpu.dma_semaphore, #tpu.memory_space<semaphore_mem>>) src(%arg5 : memref<128xf32, #tpu.memory_space<vmem>>) dst(%dma_wait3A_242 : memref<57344xf32, #tpu.memory_space<vmem_shared>>)
      %dma_wait3A_243 = arith.constant 0 : i32
      %dma_wait3A_244 = arith.constant 0 : i32
      %dma_wait3A_245 = tpu.memref_slice %arg4[%dma_wait3A_243, %dma_wait3A_244] : memref<391x128xi32, #tpu.memory_space<vmem>> -> memref<1x128xi32, #tpu.memory_space<vmem>>
      %dma_wait3A_246 = tpu.memref_squeeze %dma_wait3A_245 : memref<1x128xi32, #tpu.memory_space<vmem>> -> memref<128xi32, #tpu.memory_space<vmem>>
      %dma_wait3A_247 = arith.constant 0 : i32
      %dma_wait3A_248 = tpu.memref_slice %arg7[%dma_wait3A_247] : memref<57344xf32, #tpu.memory_space<vmem_shared>> -> memref<57344xf32, #tpu.memory_space<vmem_shared>>
      tpu.wait_indirect_dma semaphore(%arg8 : memref<!tpu.dma_semaphore, #tpu.memory_space<semaphore_mem>>) src(%arg5 : memref<128xf32, #tpu.memory_space<vmem>>) dst(%dma_wait3A_248 : memref<57344xf32, #tpu.memory_space<vmem_shared>>)
      %dma_wait3A_249 = arith.constant 0 : i32
      %dma_wait3A_250 = arith.constant 0 : i32
      %dma_wait3A_251 = tpu.memref_slice %arg4[%dma_wait3A_249, %dma_wait3A_250] : memref<391x128xi32, #tpu.memory_space<vmem>> -> memref<1x128xi32, #tpu.memory_space<vmem>>
      %dma_wait3A_252 = tpu.memref_squeeze %dma_wait3A_251 : memref<1x128xi32, #tpu.memory_space<vmem>> -> memref<128xi32, #tpu.memory_space<vmem>>
      %dma_wait3A_253 = arith.constant 0 : i32
      %dma_wait3A_254 = tpu.memref_slice %arg7[%dma_wait3A_253] : memref<57344xf32, #tpu.memory_space<vmem_shared>> -> memref<57344xf32, #tpu.memory_space<vmem_shared>>
      tpu.wait_indirect_dma semaphore(%arg8 : memref<!tpu.dma_semaphore, #tpu.memory_space<semaphore_mem>>) src(%arg5 : memref<128xf32, #tpu.memory_space<vmem>>) dst(%dma_wait3A_254 : memref<57344xf32, #tpu.memory_space<vmem_shared>>)
      %dma_wait3A_255 = arith.constant 0 : i32
      %dma_wait3A_256 = arith.constant 0 : i32
      %dma_wait3A_257 = tpu.memref_slice %arg4[%dma_wait3A_255, %dma_wait3A_256] : memref<391x128xi32, #tpu.memory_space<vmem>> -> memref<1x128xi32, #tpu.memory_space<vmem>>
      %dma_wait3A_258 = tpu.memref_squeeze %dma_wait3A_257 : memref<1x128xi32, #tpu.memory_space<vmem>> -> memref<128xi32, #tpu.memory_space<vmem>>
      %dma_wait3A_259 = arith.constant 0 : i32
      %dma_wait3A_260 = tpu.memref_slice %arg7[%dma_wait3A_259] : memref<57344xf32, #tpu.memory_space<vmem_shared>> -> memref<57344xf32, #tpu.memory_space<vmem_shared>>
      tpu.wait_indirect_dma semaphore(%arg8 : memref<!tpu.dma_semaphore, #tpu.memory_space<semaphore_mem>>) src(%arg5 : memref<128xf32, #tpu.memory_space<vmem>>) dst(%dma_wait3A_260 : memref<57344xf32, #tpu.memory_space<vmem_shared>>)
      %dma_wait3A_261 = arith.constant 0 : i32
      %dma_wait3A_262 = arith.constant 0 : i32
      %dma_wait3A_263 = tpu.memref_slice %arg4[%dma_wait3A_261, %dma_wait3A_262] : memref<391x128xi32, #tpu.memory_space<vmem>> -> memref<1x128xi32, #tpu.memory_space<vmem>>
      %dma_wait3A_264 = tpu.memref_squeeze %dma_wait3A_263 : memref<1x128xi32, #tpu.memory_space<vmem>> -> memref<128xi32, #tpu.memory_space<vmem>>
      %dma_wait3A_265 = arith.constant 0 : i32
      %dma_wait3A_266 = tpu.memref_slice %arg7[%dma_wait3A_265] : memref<57344xf32, #tpu.memory_space<vmem_shared>> -> memref<57344xf32, #tpu.memory_space<vmem_shared>>
      tpu.wait_indirect_dma semaphore(%arg8 : memref<!tpu.dma_semaphore, #tpu.memory_space<semaphore_mem>>) src(%arg5 : memref<128xf32, #tpu.memory_space<vmem>>) dst(%dma_wait3A_266 : memref<57344xf32, #tpu.memory_space<vmem_shared>>)
      %dma_wait3A_267 = arith.constant 0 : i32
      %dma_wait3A_268 = arith.constant 0 : i32
      %dma_wait3A_269 = tpu.memref_slice %arg4[%dma_wait3A_267, %dma_wait3A_268] : memref<391x128xi32, #tpu.memory_space<vmem>> -> memref<1x128xi32, #tpu.memory_space<vmem>>
      %dma_wait3A_270 = tpu.memref_squeeze %dma_wait3A_269 : memref<1x128xi32, #tpu.memory_space<vmem>> -> memref<128xi32, #tpu.memory_space<vmem>>
      %dma_wait3A_271 = arith.constant 0 : i32
      %dma_wait3A_272 = tpu.memref_slice %arg7[%dma_wait3A_271] : memref<57344xf32, #tpu.memory_space<vmem_shared>> -> memref<57344xf32, #tpu.memory_space<vmem_shared>>
      tpu.wait_indirect_dma semaphore(%arg8 : memref<!tpu.dma_semaphore, #tpu.memory_space<semaphore_mem>>) src(%arg5 : memref<128xf32, #tpu.memory_space<vmem>>) dst(%dma_wait3A_272 : memref<57344xf32, #tpu.memory_space<vmem_shared>>)
      %dma_wait3A_273 = arith.constant 0 : i32
      %dma_wait3A_274 = arith.constant 0 : i32
      %dma_wait3A_275 = tpu.memref_slice %arg4[%dma_wait3A_273, %dma_wait3A_274] : memref<391x128xi32, #tpu.memory_space<vmem>> -> memref<1x128xi32, #tpu.memory_space<vmem>>
      %dma_wait3A_276 = tpu.memref_squeeze %dma_wait3A_275 : memref<1x128xi32, #tpu.memory_space<vmem>> -> memref<128xi32, #tpu.memory_space<vmem>>
      %dma_wait3A_277 = arith.constant 0 : i32
      %dma_wait3A_278 = tpu.memref_slice %arg7[%dma_wait3A_277] : memref<57344xf32, #tpu.memory_space<vmem_shared>> -> memref<57344xf32, #tpu.memory_space<vmem_shared>>
      tpu.wait_indirect_dma semaphore(%arg8 : memref<!tpu.dma_semaphore, #tpu.memory_space<semaphore_mem>>) src(%arg5 : memref<128xf32, #tpu.memory_space<vmem>>) dst(%dma_wait3A_278 : memref<57344xf32, #tpu.memory_space<vmem_shared>>)
      %dma_wait3A_279 = arith.constant 0 : i32
      %dma_wait3A_280 = arith.constant 0 : i32
      %dma_wait3A_281 = tpu.memref_slice %arg4[%dma_wait3A_279, %dma_wait3A_280] : memref<391x128xi32, #tpu.memory_space<vmem>> -> memref<1x128xi32, #tpu.memory_space<vmem>>
      %dma_wait3A_282 = tpu.memref_squeeze %dma_wait3A_281 : memref<1x128xi32, #tpu.memory_space<vmem>> -> memref<128xi32, #tpu.memory_space<vmem>>
      %dma_wait3A_283 = arith.constant 0 : i32
      %dma_wait3A_284 = tpu.memref_slice %arg7[%dma_wait3A_283] : memref<57344xf32, #tpu.memory_space<vmem_shared>> -> memref<57344xf32, #tpu.memory_space<vmem_shared>>
      tpu.wait_indirect_dma semaphore(%arg8 : memref<!tpu.dma_semaphore, #tpu.memory_space<semaphore_mem>>) src(%arg5 : memref<128xf32, #tpu.memory_space<vmem>>) dst(%dma_wait3A_284 : memref<57344xf32, #tpu.memory_space<vmem_shared>>)
      %dma_wait3A_285 = arith.constant 0 : i32
      %dma_wait3A_286 = arith.constant 0 : i32
      %dma_wait3A_287 = tpu.memref_slice %arg4[%dma_wait3A_285, %dma_wait3A_286] : memref<391x128xi32, #tpu.memory_space<vmem>> -> memref<1x128xi32, #tpu.memory_space<vmem>>
      %dma_wait3A_288 = tpu.memref_squeeze %dma_wait3A_287 : memref<1x128xi32, #tpu.memory_space<vmem>> -> memref<128xi32, #tpu.memory_space<vmem>>
      %dma_wait3A_289 = arith.constant 0 : i32
      %dma_wait3A_290 = tpu.memref_slice %arg7[%dma_wait3A_289] : memref<57344xf32, #tpu.memory_space<vmem_shared>> -> memref<57344xf32, #tpu.memory_space<vmem_shared>>
      tpu.wait_indirect_dma semaphore(%arg8 : memref<!tpu.dma_semaphore, #tpu.memory_space<semaphore_mem>>) src(%arg5 : memref<128xf32, #tpu.memory_space<vmem>>) dst(%dma_wait3A_290 : memref<57344xf32, #tpu.memory_space<vmem_shared>>)
      %dma_wait3A_291 = arith.constant 0 : i32
      %dma_wait3A_292 = arith.constant 0 : i32
      %dma_wait3A_293 = tpu.memref_slice %arg4[%dma_wait3A_291, %dma_wait3A_292] : memref<391x128xi32, #tpu.memory_space<vmem>> -> memref<1x128xi32, #tpu.memory_space<vmem>>
      %dma_wait3A_294 = tpu.memref_squeeze %dma_wait3A_293 : memref<1x128xi32, #tpu.memory_space<vmem>> -> memref<128xi32, #tpu.memory_space<vmem>>
      %dma_wait3A_295 = arith.constant 0 : i32
      %dma_wait3A_296 = tpu.memref_slice %arg7[%dma_wait3A_295] : memref<57344xf32, #tpu.memory_space<vmem_shared>> -> memref<57344xf32, #tpu.memory_space<vmem_shared>>
      tpu.wait_indirect_dma semaphore(%arg8 : memref<!tpu.dma_semaphore, #tpu.memory_space<semaphore_mem>>) src(%arg5 : memref<128xf32, #tpu.memory_space<vmem>>) dst(%dma_wait3A_296 : memref<57344xf32, #tpu.memory_space<vmem_shared>>)
      %dma_wait3A_297 = arith.constant 0 : i32
      %dma_wait3A_298 = arith.constant 0 : i32
      %dma_wait3A_299 = tpu.memref_slice %arg4[%dma_wait3A_297, %dma_wait3A_298] : memref<391x128xi32, #tpu.memory_space<vmem>> -> memref<1x128xi32, #tpu.memory_space<vmem>>
      %dma_wait3A_300 = tpu.memref_squeeze %dma_wait3A_299 : memref<1x128xi32, #tpu.memory_space<vmem>> -> memref<128xi32, #tpu.memory_space<vmem>>
      %dma_wait3A_301 = arith.constant 0 : i32
      %dma_wait3A_302 = tpu.memref_slice %arg7[%dma_wait3A_301] : memref<57344xf32, #tpu.memory_space<vmem_shared>> -> memref<57344xf32, #tpu.memory_space<vmem_shared>>
      tpu.wait_indirect_dma semaphore(%arg8 : memref<!tpu.dma_semaphore, #tpu.memory_space<semaphore_mem>>) src(%arg5 : memref<128xf32, #tpu.memory_space<vmem>>) dst(%dma_wait3A_302 : memref<57344xf32, #tpu.memory_space<vmem_shared>>)
      %dma_wait3A_303 = arith.constant 0 : i32
      %dma_wait3A_304 = arith.constant 0 : i32
      %dma_wait3A_305 = tpu.memref_slice %arg4[%dma_wait3A_303, %dma_wait3A_304] : memref<391x128xi32, #tpu.memory_space<vmem>> -> memref<1x128xi32, #tpu.memory_space<vmem>>
      %dma_wait3A_306 = tpu.memref_squeeze %dma_wait3A_305 : memref<1x128xi32, #tpu.memory_space<vmem>> -> memref<128xi32, #tpu.memory_space<vmem>>
      %dma_wait3A_307 = arith.constant 0 : i32
      %dma_wait3A_308 = tpu.memref_slice %arg7[%dma_wait3A_307] : memref<57344xf32, #tpu.memory_space<vmem_shared>> -> memref<57344xf32, #tpu.memory_space<vmem_shared>>
      tpu.wait_indirect_dma semaphore(%arg8 : memref<!tpu.dma_semaphore, #tpu.memory_space<semaphore_mem>>) src(%arg5 : memref<128xf32, #tpu.memory_space<vmem>>) dst(%dma_wait3A_308 : memref<57344xf32, #tpu.memory_space<vmem_shared>>)
      %dma_wait3A_309 = arith.constant 0 : i32
      %dma_wait3A_310 = arith.constant 0 : i32
      %dma_wait3A_311 = tpu.memref_slice %arg4[%dma_wait3A_309, %dma_wait3A_310] : memref<391x128xi32, #tpu.memory_space<vmem>> -> memref<1x128xi32, #tpu.memory_space<vmem>>
      %dma_wait3A_312 = tpu.memref_squeeze %dma_wait3A_311 : memref<1x128xi32, #tpu.memory_space<vmem>> -> memref<128xi32, #tpu.memory_space<vmem>>
      %dma_wait3A_313 = arith.constant 0 : i32
      %dma_wait3A_314 = tpu.memref_slice %arg7[%dma_wait3A_313] : memref<57344xf32, #tpu.memory_space<vmem_shared>> -> memref<57344xf32, #tpu.memory_space<vmem_shared>>
      tpu.wait_indirect_dma semaphore(%arg8 : memref<!tpu.dma_semaphore, #tpu.memory_space<semaphore_mem>>) src(%arg5 : memref<128xf32, #tpu.memory_space<vmem>>) dst(%dma_wait3A_314 : memref<57344xf32, #tpu.memory_space<vmem_shared>>)
      %dma_wait3A_315 = arith.constant 0 : i32
      %dma_wait3A_316 = arith.constant 0 : i32
      %dma_wait3A_317 = tpu.memref_slice %arg4[%dma_wait3A_315, %dma_wait3A_316] : memref<391x128xi32, #tpu.memory_space<vmem>> -> memref<1x128xi32, #tpu.memory_space<vmem>>
      %dma_wait3A_318 = tpu.memref_squeeze %dma_wait3A_317 : memref<1x128xi32, #tpu.memory_space<vmem>> -> memref<128xi32, #tpu.memory_space<vmem>>
      %dma_wait3A_319 = arith.constant 0 : i32
      %dma_wait3A_320 = tpu.memref_slice %arg7[%dma_wait3A_319] : memref<57344xf32, #tpu.memory_space<vmem_shared>> -> memref<57344xf32, #tpu.memory_space<vmem_shared>>
      tpu.wait_indirect_dma semaphore(%arg8 : memref<!tpu.dma_semaphore, #tpu.memory_space<semaphore_mem>>) src(%arg5 : memref<128xf32, #tpu.memory_space<vmem>>) dst(%dma_wait3A_320 : memref<57344xf32, #tpu.memory_space<vmem_shared>>)
      %scan3A_321 = arith.constant 0 : i32
      scf.yield %scan3A_321 : i32
    }
    %scan3A_61 = arith.constant 23 : i32
    %barrier3A_62 = arith.constant 0 : index
    tpu.barrier barrier_id(%barrier3A_62)
    %mul3A_63 = arith.constant 3584 : i32
    %mul3A_64 = arith.muli %arg1, %mul3A_63 : i32
    %mul3A_65 = arith.constant 3584 : i32
    %mul3A_66 = arith.muli %arg1, %mul3A_65 : i32
    "tpu.region"() ({
      %run_scoped3A = tpu.sem_alloc : memref<!tpu.dma_semaphore, #tpu.memory_space<semaphore_mem>>
      %dma_start3A = tpu.memref_slice %arg3[%arg0, %mul3A_66] : memref<2x57344xf32, #tpu.memory_space<hbm>> -> memref<1x3584xf32, #tpu.memory_space<hbm>>
      %dma_start3A_67 = tpu.memref_squeeze %dma_start3A : memref<1x3584xf32, #tpu.memory_space<hbm>> -> memref<3584xf32, #tpu.memory_space<hbm>>
      %dma_start3A_68 = tpu.memref_slice %arg7[%mul3A_64] : memref<57344xf32, #tpu.memory_space<vmem_shared>> -> memref<3584xf32, #tpu.memory_space<vmem_shared>>
      tpu.enqueue_dma source(%dma_start3A_68 : memref<3584xf32, #tpu.memory_space<vmem_shared>>) target(%dma_start3A_67 : memref<3584xf32, #tpu.memory_space<hbm>>) target_semaphore(%run_scoped3A : memref<!tpu.dma_semaphore, #tpu.memory_space<semaphore_mem>>)
      %dma_wait3A = tpu.memref_slice %arg3[%arg0, %mul3A_66] : memref<2x57344xf32, #tpu.memory_space<hbm>> -> memref<1x3584xf32, #tpu.memory_space<hbm>>
      %dma_wait3A_69 = tpu.memref_squeeze %dma_wait3A : memref<1x3584xf32, #tpu.memory_space<hbm>> -> memref<3584xf32, #tpu.memory_space<hbm>>
      %dma_wait3A_70 = tpu.memref_slice %arg7[%mul3A_64] : memref<57344xf32, #tpu.memory_space<vmem_shared>> -> memref<3584xf32, #tpu.memory_space<vmem_shared>>
      tpu.wait_dma2 semaphore(%run_scoped3A : memref<!tpu.dma_semaphore, #tpu.memory_space<semaphore_mem>>) src(%dma_wait3A_70 : memref<3584xf32, #tpu.memory_space<vmem_shared>>) dst(%dma_wait3A_69 : memref<3584xf32, #tpu.memory_space<hbm>>)
      tpu.yield
    }) : () -> ()
    return
  }
}

</mosaic_0001>

<sc_bundles>
// kernel: _deg_call.3.cloned.1.call-start
scs
__scs_entry_jumppad:
0x0: {  	(pc) =	sbr.rel $0x88, $3  }
0x1: {  	(tag) =	ssettag $0x0;
	lr =	simm.s32 $0x1  }
0x2: {  	[smem:$0x3FA0] =	sst lr;
	_ =	strace $0xD0000000  }
0x3: {  	_ = 	snop  }
0x4: {  	_ = 	snop  }
0x5: {  	_ = 	snop  }
0x6: {  	_ = 	snop  }
0x7: {  	_ = 	snop  }
__scs_overlays_trampoline_lowered:
0x8: {  	[smem:$0x3FAF] =	sst s0  }
0x9: {  	[smem:$0x3FB0] =	sst s1  }
0xa: {  	[smem:$0x3FB1] =	sst s2  }
0xb: {  	[smem:$0x3FB2] =	sst s3  }
0xc: {  	[smem:$0x3FB3] =	sst s4  }
0xd: {  	[smem:$0x3FB4] =	sst s5  }
0xe: {  	[smem:$0x3FB5] =	sst s6  }
0xf: {  	[smem:$0x3FB6] =	sst s7  }
0x10: {  	[smem:$0x3FB7] =	sst s8  }
0x11: {  	[smem:$0x3FB8] =	sst s9;
	s0 =	simm.s32 @!p0 $0x0  }
0x12: {  	s1 =	sld [smem:$0x3F9E];
	s0 =	simm.s32 @p0 $0x1  }
0x13: {  	[smem:$0x3FB9] =	sst s0;
	s0 =	simm.s32 @!p1 $0x0  }
0x14: {  	s2 =	sld [smem:$0x3F9D];
	s0 =	simm.s32 @p1 $0x1  }
0x15: {  	[smem:$0x3FBA] =	sst s0;
	s0 =	simm.s32 @!p2 $0x0  }
0x16: {  	s3 =	sld [smem:$0x3FDB];
	s0 =	simm.s32 @p2 $0x1  }
0x17: {  	s4 =	simm.s32 $0x1BF5;
	[smem:$0x3FBC] =	sst s0  }
0x18: {  	s0 =	sld [smem:$0x3F9F];
	_ =	swait.ge [sflag:s4], $0x0  }
0x19: {  	s7 =	sld [smem:$0x3FA0]  }
0x1a: {  	s8 =	sadd.s32 $0xFFFFE003, lr  }
0x1b: {  	s9 =	sadd.s32 $0xFFFFFEF7, lr;
	s5 =	simm.s32 $0xFFFFFFFF;
	p2 =	slt.u32 s8, $0xFFFFF086  }
0x1c: {  	p1 =	slt.u32 s9, $0xF7A;
	s5 =	simm.s32 @!p2 $0x0  }
0x1d: {  	s5 =	simm.s32 @p1 $0x1;
	p0 =	seq.s32 s7, s2  }
0x1e: {  	s7 =	smul.u32 @!p0 $0xF7A, s2;
	p2 =	seq.s32 @!p0 s5, $0x0  }
0x1f: {  	s9 =	smul.u32 $0xF7A, s1;
	s8 =	simm.s32 @!p0 $0x1BF5;
	p2 =	por !p2, p0  }
0x20: {  	[sflag:s8] =	ssyncset.s32 @!p0 $0xFFFFF086;
	s6 =	sadd.s32 @!p0 s3, s7;
	s7 =	simm.s32 @!p0 $0x108  }
0x21: {  	s3 =	sadd.s32 s3, s9;
	s6 =	sadd.s32 @!p0 $0x88, s6;
	s7 =	simm.s32 @p2 $0x1082  }
0x22: {  	[simem:s7], [sflag:s8] =	dma.local @!p0 [hbm:s6], $0xF7A  }
0x23: {  	s9 =	sor.u32 $0xD0000000, s2;
	s6 =	simm.s32 $0x108;
	_ =	swait.ge @!p0 [sflag:s8], $0x0  }
0x24: {  	s3 =	sadd.s32 $0x88, s3;
	s6 =	simm.s32 @!p1 $0x1082;
	[sflag:s4] =	ssyncset.s32 $0xFFFFF086  }
0x25: {  	[simem:s6], [sflag:s4] =	dma.local [hbm:s3], $0xF7A  }
0x26: {  	[smem:$0x3FA0] =	sst s1;
	(tag) =	ssettag s2;
	_ =	strace s9  }
0x27: {  	s1 =	sld [smem:$0x3FB0]  }
0x28: {  	s2 =	sld [smem:$0x3FB1]  }
0x29: {  	s4 =	sld [smem:$0x3FB3]  }
0x2a: {  	p0 =	seq.s32 s5, $0x0;
	s5 =	sld [smem:$0x3FB4]  }
0x2b: {  	s6 =	sld [smem:$0x3FB5]  }
0x2c: {  	s7 =	sld [smem:$0x3FB6]  }
0x2d: {  	s3 =	simm.s32 $0x108;
	s8 =	sld [smem:$0x3FB7]  }
0x2e: {  	s3 =	simm.s32 @!p0 $0x1082;
	s9 =	sld [smem:$0x3FB8]  }
0x2f: {  	lr =	sadd.s32 s0, s3;
	s0 =	sld [smem:$0x3FAF]  }
0x30: {  	s3 =	sld [smem:$0x3FB2]  }
0x31: {  	[smem:$0x3FBB] =	sst s10  }
0x32: {  	s10 =	sld [smem:$0x3FB9];
	_ =	sdelay $0x3  }
0x33: {  	p0 =	seq.s32 s10, $0x1;
	s10 =	sld [smem:$0x3FBB];
	_ =	sdelay $0x3  }
0x34: {  	[smem:$0x3FBB] =	sst s10  }
0x35: {  	s10 =	sld [smem:$0x3FBA];
	_ =	sdelay $0x3  }
0x36: {  	p1 =	seq.s32 s10, $0x1;
	s10 =	sld [smem:$0x3FBB];
	_ =	sdelay $0x3  }
0x37: {  	[smem:$0x3FBB] =	sst s10  }
0x38: {  	s10 =	sld [smem:$0x3FBC]  }
0x39: {  	_ = 	snop;
	(pc) =	sbr.ind lr, $3  }
0x3a: {  	_ = 	snop  }
0x3b: {  	_ = 	snop  }
0x3c: {  	p2 =	seq.s32 s10, $0x1;
	s10 =	sld [smem:$0x3FBB]  }
0x3d: {  	_ =	shalt  }
0x3e: {  	_ =	shalt  }
0x3f: {  	_ =	shalt  }
0x40: {  	_ =	shalt  }
0x41: {  	_ =	shalt  }
0x42: {  	_ =	shalt  }
0x43: {  	_ =	shalt  }
0x44: {  	_ =	shalt  }
0x45: {  	_ =	shalt  }
0x46: {  	_ =	shalt  }
0x47: {  	_ =	shalt  }
0x48: {  	_ =	shalt  }
0x49: {  	_ =	shalt  }
0x4a: {  	_ =	shalt  }
0x4b: {  	_ =	shalt  }
0x4c: {  	_ =	shalt  }
0x4d: {  	_ =	shalt  }
0x4e: {  	_ =	shalt  }
0x4f: {  	_ =	shalt  }
0x50: {  	_ =	shalt  }
0x51: {  	_ =	shalt  }
0x52: {  	_ =	shalt  }
0x53: {  	_ =	shalt  }
0x54: {  	_ =	shalt  }
0x55: {  	_ =	shalt  }
0x56: {  	_ =	shalt  }
0x57: {  	_ =	shalt  }
0x58: {  	_ =	shalt  }
0x59: {  	_ =	shalt  }
0x5a: {  	_ =	shalt  }
0x5b: {  	_ =	shalt  }
0x5c: {  	_ =	shalt  }
0x5d: {  	_ =	shalt  }
0x5e: {  	_ =	shalt  }
0x5f: {  	_ =	shalt  }
0x60: {  	_ =	shalt  }
0x61: {  	_ =	shalt  }
0x62: {  	_ =	shalt  }
0x63: {  	_ =	shalt  }
0x64: {  	_ =	shalt  }
0x65: {  	_ =	shalt  }
0x66: {  	_ =	shalt  }
0x67: {  	_ =	shalt  }
0x68: {  	_ =	shalt  }
0x69: {  	_ =	shalt  }
0x6a: {  	_ =	shalt  }
0x6b: {  	_ =	shalt  }
0x6c: {  	_ =	shalt  }
0x6d: {  	_ =	shalt  }
0x6e: {  	_ =	shalt  }
0x6f: {  	_ =	shalt  }
0x70: {  	_ =	shalt  }
0x71: {  	_ =	shalt  }
0x72: {  	_ =	shalt  }
0x73: {  	_ =	shalt  }
0x74: {  	_ =	shalt  }
0x75: {  	_ =	shalt  }
0x76: {  	_ =	shalt  }
0x77: {  	_ =	shalt  }
0x78: {  	_ =	shalt  }
0x79: {  	_ =	shalt  }
0x7a: {  	_ =	shalt  }
0x7b: {  	_ =	shalt  }
0x7c: {  	_ =	shalt  }
0x7d: {  	_ =	shalt  }
0x7e: {  	_ =	shalt  }
0x7f: {  	_ =	shalt  }
0x80: {  	_ =	shalt  }
0x81: {  	_ =	shalt  }
0x82: {  	_ =	shalt  }
0x83: {  	_ =	shalt  }
0x84: {  	_ =	shalt  }
0x85: {  	_ =	shalt  }
0x86: {  	_ =	shalt  }
0x87: {  	_ =	shalt  }
.Lfunc_end0:
.L_simem_size_0:
called_computation_lowered:
.L_overlay_start_0:
0x88: {  	s2 =	sld [smem:$0x3FD9]  }
0x89: {  	s3 =	sld [smem:$0x3FFE];
	_ =	sdelay $0x1  }
0x8a: {  	s1 =	srdreg.scid  }
0x8b: {  	s0 =	sand.u32 $0x1, s1  }
0x8c: {  	s16 =	sshll.u32 s0, $0xA;
	s2 =	sadd.s32 s3, s2  }
0x8d: {  	s2 =	sadd.s32 s2, s16  }
0x8e: {  	[smem:$0x3FC7] =	sst s2  }
0x8f: {  	_ = 	snop  }
0x90: {  	(tm) =	ssettm $0x1  }
0x91: {  	s17 =	sld [smem:$0x3FFB];
	_ =	sdelay $0x3  }
0x92: {  	_ =	strace s17  }
0x93: {  	s2 =	sld [smem:$0x3FFC];
	_ =	sdelay $0x3  }
0x94: {  	_ =	strace s2  }
0x95: {  	s2 =	sld [smem:$0x3FFD];
	_ =	sdelay $0x3  }
0x96: {  	_ =	strace s2  }
0x97: {  	_ =	strace $0x8FFFFFFF  }
0x98: {  	s18 =	sld [smem:$0x3FDB];
	_ =	sdelay $0x1  }
0x99: {  	s19 =	simm.s32 $_scs_section_size  }
0x9a: {  	s4 =	simm.s32 $_size__tile_overlayer_lowered;
	s5 =	simm.s32 $_tile_overlayer_lowered  }
0x9b: {  	s22 =	simm.s32 $0x1BFF;
	s21 =	sshll.u32 s5, $0x1;
	s2 =	sadd.s32 s19, s18  }
0x9c: {  	s6 =	simm.s32 $0x0;
	s20 =	sshll.u32 s4, $0x1;
	s4 =	sadd.s32 s21, s2  }
0x9d: {  	[timem:s6], [sflag:s22] =	dma.local [hbm:s4], s20  }
0x9e: {  	_ =	swait.ge [sflag:s22], s20  }
0x9f: {  	s3 =	ssub.s32 $0x0, s20;
	[sflag:s22] =	ssyncset.done $0x0  }
0xa0: {  	[sflag:s22] =	ssyncadd.s32 s3;
	_ =	sdelay $0x1  }
0xa1: {  	s23 =	simm.s32 $0x1B8B  }
0xa2: {  	_ =	swait.ge [sflag:s23], $0x1  }
0xa3: {  	[sflag:s23] =	ssyncset.done $0x0  }
0xa4: {  	s25 =	simm.s32 $0x1B8E;
	s24 =	sld [smem:$0x3FFE];
	[sflag:s23] =	ssyncadd.s32 $0xFFFFFFFF  }
0xa5: {  	s26 =	simm.s32 $execute0_lowered;
	[smem:$0x3FD2] =	sst s25  }
0xa6: {  	s4 =	sshll.u32 s26, $0x1;
	_ =	strace $0x80000046;
	[dreg:$0x1] =	wrdreg $0xFFFFFFFF  }
0xa7: {  	s28 =	simm.s32 $_size_execute0_lowered;
	s2 =	sadd.s32 s2, s4;
	[dreg:$0x0] =	wrdreg $0x0  }
0xa8: {  	s4 =	sshll.u32 s28, $0x1;
	[dreg:$0x2] =	wrdreg s2  }
0xa9: {  	[dreg:$0x3] =	wrdreg s4  }
0xaa: {  	[dreg:$0x4] =	wrdreg $0xC0  }
0xab: {  	_ =	task [dreg:s6], $0x5FFFF  }
0xac: {  	[dreg:$0x1] =	wrdreg $0xFFFFFFFF  }
0xad: {  	[dreg:$0x0] =	wrdreg $0x60  }
0xae: {  	[dreg:$0x2] =	wrdreg s24  }
0xaf: {  	[dreg:$0x3] =	wrdreg $0xD2000  }
0xb0: {  	[dreg:$0x4] =	wrdreg $0x9  }
0xb1: {  	_ =	task.clear_ibuf [dreg:s6], $0x5FFFF;
	_ =	strace $0x90000046  }
0xb2: {  	s29 =	simm.s32 $0x9;
	_ =	strace $0x80000048  }
0xb3: {  	_ =	swait.ge [sflag:s29], $0x1  }
0xb4: {  	[sflag:s29] =	ssyncadd.s32 $0xFFFFFFFF  }
0xb5: {  	_ =	strace $0x90000048  }
0xb6: {  	_ =	sfence  }
0xb7: {  	s30 =	sld [smem:$0x0];
	_ =	sdelay $0x2  }
0xb8: {  	s31 =	sshll.u32 s1, $0xD;
	s1 =	sshrl.u32 s1, $0x2  }
0xb9: {  	s3 =	sand.u32 $0x4000, s31;
	s1 =	sadd.s32 s1, s30  }
0xba: {  	s0 =	sor.u32 s3, s0;
	s1 =	sshll.u32 s1, $0x11  }
0xbb: {  	s0 =	sor.u32 s1, s0  }
0xbc: {  	s0 =	sadd.s32 $0x8F2B, s0  }
0xbd: {  	[sflag:s0] =	ssyncadd.remote.s32 $0x1  }
0xbe: {  	_ =	sfence.sel $0xFFFF  }
0xbf: {  	[dreg:$0x0] =	wrdreg $0xFFFFFFFF;
	(pc) =	sbr.abs _section_cstart, $3  }
0xc0: {  	[dreg:$0x1] =	wrdreg $0xFFFFFFFF  }
0xc1: {  	_ =	task.clear_ibuf [dreg:s6], $0x2FFFF;
	_ =	strace $0x9FFFFFFF  }
0xc2: {  	(tm) =	ssettm $0x7FFFFFFF  }
0xc3: {  	_ =	shalt  }
tec
execute0_lowered:
.L_overlay_start_1:
0x0: {  	(tag) =	ssettag $0x1  }
0x1: {  	s4 =	rddreg [dreg:$0x0];
	s0 =	srdreg.scid  }
0x2: {  	s2 =	rddreg [dreg:$0x1];
	s1 =	stileid.u32  }
0x3: {  	s3 =	simm.s32 $0x0;
	s11 =	simm.s32 $0xC380;
	s7 =	smul.u32 $0xE00, s1  }
0x4: {  	s12 =	simm.s32 $0x1;
	s5 =	sand.u32 $0x1, s0;
	s9 =	smul.u32 $0x1870, s1  }
0x5: {  	s15 =	simm.s32 $0x0;
	s0 =	rddreg [dreg:$0x2];
	s6 =	smul.u32 $0x18700, s5  }
0x6: {  	[smem:$0x7FF] =	sst s3;
	s13 =	sshll.u32 s1, $0x6;
	s8 =	smul.u32 $0xE000, s5  }
0x7: {  	_ =	strace $0x80000047;
	s5 =	ssub.s32 $0x2, s5;
	s13 =	sor.u32 $0x1C02, s13  }
0x8: {  	s10 =	sshrl.u32 s5, $0x1;
	s6 =	sadd.s32 s6, s4;
	s8 =	sadd.s32 s7, s8  }
0x9: {  	s31 =	ssub.s32 s5, s10;
	s5 =	sadd.s32 s7, s2;
	s10 =	simm.s32 $0x80  }
0xa: {  	s8 =	sshrl.u32 s8, $0x3;
	s6 =	sadd.s32 s9, s6;
	s7 =	smax.u32 s31, $0x1  }
0xb: {  	s9 =	simm.s32 $0xC400;
	s14 =	sshrl.u32 s5, $0x3;
	s8 =	sadd.s32 s8, s4  }
0xc: {  	v0 =	vimm.f32 $1.000000000e+00;
	v1 =	vimm.f32 $0.0e+00;
	s4 =	sadd.s32 $0x400, s6;
	s6 =	sadd.s32 $0x31200, s8;
	s8 =	simm.s32 $0x2  }
.LBB2_1:
0xd: {  	[tilespmem:s3], [sflag:$0x2] =	stream.linear.gather [hbm4b:s4+s3], $0xC380, $0x38;
	[tilespmem:$0xE000] =	vst v63  }
0xe: {  	_ =	swait.ge [sflag:s8], $0xC380  }
0xf: {  	[sflag:s8] =	ssyncset.done $0x0  }
0x10: {  	[sflag:s8] =	ssyncadd.s32 $0xFFFF3C80  }
0x11: {  	[tilespmem:$0xC380] =	vst v0  }
0x12: {  	[tilespmem:$0xC390] =	vst v0  }
0x13: {  	[tilespmem:$0xC3A0] =	vst v0  }
0x14: {  	[tilespmem:$0xC3B0] =	vst v0  }
0x15: {  	[tilespmem:$0xC3C0] =	vst v0  }
0x16: {  	[tilespmem:$0xC3D0] =	vst v0  }
0x17: {  	[tilespmem:$0xC3E0] =	vst v0  }
0x18: {  	s16 =	simm.s32 $0x40;
	s17 =	simm.s32 $0x0;
	[tilespmem:$0xC3F0] =	vst v0  }
.LBB2_2:
0x19: {  	p0 =	sne.s32 s16, $0x37C0;
	[tilespmem:s17+$0xC400] =	vst v1;
	s17 =	smov.u32 s16;
	s16 =	sadd.s32 $0x40, s16  }
.Ltmp0:
0x1a: {  	(pc) =	sbr.rel @p0 .LBB2_2-.Ltmp0, $2  }
0x1b: {  	_ =	sdelay $0x2  }
0x1c: {  	s17 =	sshra.s32 s17, $0x2  }
0x1d: {  	[tilespmem:s17+$0xC400] =	vst v1  }
0x1e: {  	[spmem:s5] =	stream.linear.scatter [tilespmem:s9], [sflag:$0x2], $0xE00, $0x38;
	[tilespmem:$0xE000] =	vst v63  }
0x1f: {  	_ =	swait.ge [sflag:s8], $0xE00  }
0x20: {  	[sflag:s8] =	ssyncset.done $0x0  }
0x21: {  	[sflag:s8] =	ssyncadd.s32 $0xFFFFF200  }
0x22: {  	s16 =	simm.s32 $0x0;
	[bflag:$0x0] =	sbarrier.arrive $0xFFFF  }
0x23: {  	[spmem:s2] =	stream.indirect.scatter.add.f32 [tilespmem:s11], [sflag:$0x1], $0x1, s16, s10, $0xb8;
	[tilespmem:$0xE000] =	vst v63  }
0x24: {  	s30 =	simm.s32 $0x80  }
0x25: {  	[spmem:s2] =	stream.indirect.scatter.add.f32 [tilespmem:s11], [sflag:$0x1], $0x1, s30, s10, $0xb8;
	[tilespmem:$0xE000] =	vst v63  }
0x26: {  	s31 =	simm.s32 $0x100  }
0x27: {  	[spmem:s2] =	stream.indirect.scatter.add.f32 [tilespmem:s11], [sflag:$0x1], $0x1, s31, s10, $0xb8;
	[tilespmem:$0xE000] =	vst v63  }
0x28: {  	s17 =	simm.s32 $0x180  }
0x29: {  	[spmem:s2] =	stream.indirect.scatter.add.f32 [tilespmem:s11], [sflag:$0x1], $0x1, s17, s10, $0xb8;
	[tilespmem:$0xE000] =	vst v63  }
0x2a: {  	s18 =	simm.s32 $0x200  }
0x2b: {  	[spmem:s2] =	stream.indirect.scatter.add.f32 [tilespmem:s11], [sflag:$0x1], $0x1, s18, s10, $0xb8;
	[tilespmem:$0xE000] =	vst v63  }
0x2c: {  	s19 =	simm.s32 $0x280  }
0x2d: {  	[spmem:s2] =	stream.indirect.scatter.add.f32 [tilespmem:s11], [sflag:$0x1], $0x1, s19, s10, $0xb8;
	[tilespmem:$0xE000] =	vst v63  }
0x2e: {  	s20 =	simm.s32 $0x300  }
0x2f: {  	[spmem:s2] =	stream.indirect.scatter.add.f32 [tilespmem:s11], [sflag:$0x1], $0x1, s20, s10, $0xb8;
	[tilespmem:$0xE000] =	vst v63  }
0x30: {  	s21 =	simm.s32 $0x380  }
0x31: {  	[spmem:s2] =	stream.indirect.scatter.add.f32 [tilespmem:s11], [sflag:$0x1], $0x1, s21, s10, $0xb8;
	[tilespmem:$0xE000] =	vst v63  }
0x32: {  	s22 =	simm.s32 $0x400  }
0x33: {  	[spmem:s2] =	stream.indirect.scatter.add.f32 [tilespmem:s11], [sflag:$0x1], $0x1, s22, s10, $0xb8;
	[tilespmem:$0xE000] =	vst v63  }
0x34: {  	s23 =	simm.s32 $0x480  }
0x35: {  	[spmem:s2] =	stream.indirect.scatter.add.f32 [tilespmem:s11], [sflag:$0x1], $0x1, s23, s10, $0xb8;
	[tilespmem:$0xE000] =	vst v63  }
0x36: {  	s24 =	simm.s32 $0x500  }
0x37: {  	[spmem:s2] =	stream.indirect.scatter.add.f32 [tilespmem:s11], [sflag:$0x1], $0x1, s24, s10, $0xb8;
	[tilespmem:$0xE000] =	vst v63  }
0x38: {  	s25 =	simm.s32 $0x580  }
0x39: {  	[spmem:s2] =	stream.indirect.scatter.add.f32 [tilespmem:s11], [sflag:$0x1], $0x1, s25, s10, $0xb8;
	[tilespmem:$0xE000] =	vst v63  }
0x3a: {  	s26 =	simm.s32 $0x600  }
0x3b: {  	[spmem:s2] =	stream.indirect.scatter.add.f32 [tilespmem:s11], [sflag:$0x1], $0x1, s26, s10, $0xb8;
	[tilespmem:$0xE000] =	vst v63  }
0x3c: {  	s28 =	simm.s32 $0x680  }
0x3d: {  	[spmem:s2] =	stream.indirect.scatter.add.f32 [tilespmem:s11], [sflag:$0x1], $0x1, s28, s10, $0xb8;
	[tilespmem:$0xE000] =	vst v63  }
0x3e: {  	s29 =	simm.s32 $0x700  }
0x3f: {  	[spmem:s2] =	stream.indirect.scatter.add.f32 [tilespmem:s11], [sflag:$0x1], $0x1, s29, s10, $0xb8;
	[tilespmem:$0xE000] =	vst v63  }
0x40: {  	s30 =	simm.s32 $0x780  }
0x41: {  	[spmem:s2] =	stream.indirect.scatter.add.f32 [tilespmem:s11], [sflag:$0x1], $0x1, s30, s10, $0xb8;
	[tilespmem:$0xE000] =	vst v63  }
0x42: {  	s31 =	simm.s32 $0x800  }
0x43: {  	[spmem:s2] =	stream.indirect.scatter.add.f32 [tilespmem:s11], [sflag:$0x1], $0x1, s31, s10, $0xb8;
	[tilespmem:$0xE000] =	vst v63  }
0x44: {  	_ =	swait.ge [sflag:s12], $0x80  }
0x45: {  	[sflag:s12] =	ssyncset.done $0x0  }
0x46: {  	[sflag:s12] =	ssyncadd.s32 $0xFFFFFF80  }
0x47: {  	_ =	swait.ge [sflag:s12], $0x80  }
0x48: {  	[sflag:s12] =	ssyncset.done $0x0  }
0x49: {  	[sflag:s12] =	ssyncadd.s32 $0xFFFFFF80  }
0x4a: {  	_ =	swait.ge [sflag:s12], $0x80  }
0x4b: {  	[sflag:s12] =	ssyncset.done $0x0  }
0x4c: {  	[sflag:s12] =	ssyncadd.s32 $0xFFFFFF80  }
0x4d: {  	_ =	swait.ge [sflag:s12], $0x80  }
0x4e: {  	[sflag:s12] =	ssyncset.done $0x0  }
0x4f: {  	[sflag:s12] =	ssyncadd.s32 $0xFFFFFF80  }
0x50: {  	_ =	swait.ge [sflag:s12], $0x80  }
0x51: {  	[sflag:s12] =	ssyncset.done $0x0  }
0x52: {  	[sflag:s12] =	ssyncadd.s32 $0xFFFFFF80  }
0x53: {  	_ =	swait.ge [sflag:s12], $0x80  }
0x54: {  	[sflag:s12] =	ssyncset.done $0x0  }
0x55: {  	[sflag:s12] =	ssyncadd.s32 $0xFFFFFF80  }
0x56: {  	_ =	swait.ge [sflag:s12], $0x80  }
0x57: {  	[sflag:s12] =	ssyncset.done $0x0  }
0x58: {  	[sflag:s12] =	ssyncadd.s32 $0xFFFFFF80  }
0x59: {  	_ =	swait.ge [sflag:s12], $0x80  }
0x5a: {  	[sflag:s12] =	ssyncset.done $0x0  }
0x5b: {  	[sflag:s12] =	ssyncadd.s32 $0xFFFFFF80  }
0x5c: {  	_ =	swait.ge [sflag:s12], $0x80  }
0x5d: {  	[sflag:s12] =	ssyncset.done $0x0  }
0x5e: {  	[sflag:s12] =	ssyncadd.s32 $0xFFFFFF80  }
0x5f: {  	_ =	swait.ge [sflag:s12], $0x80  }
0x60: {  	[sflag:s12] =	ssyncset.done $0x0  }
0x61: {  	[sflag:s12] =	ssyncadd.s32 $0xFFFFFF80  }
0x62: {  	_ =	swait.ge [sflag:s12], $0x80  }
0x63: {  	[sflag:s12] =	ssyncset.done $0x0  }
0x64: {  	[sflag:s12] =	ssyncadd.s32 $0xFFFFFF80  }
0x65: {  	_ =	swait.ge [sflag:s12], $0x80  }
0x66: {  	[sflag:s12] =	ssyncset.done $0x0  }
0x67: {  	[sflag:s12] =	ssyncadd.s32 $0xFFFFFF80  }
0x68: {  	_ =	swait.ge [sflag:s12], $0x80  }
0x69: {  	[sflag:s12] =	ssyncset.done $0x0  }
0x6a: {  	[sflag:s12] =	ssyncadd.s32 $0xFFFFFF80  }
0x6b: {  	_ =	swait.ge [sflag:s12], $0x80  }
0x6c: {  	[sflag:s12] =	ssyncset.done $0x0  }
0x6d: {  	[sflag:s12] =	ssyncadd.s32 $0xFFFFFF80  }
0x6e: {  	_ =	swait.ge [sflag:s12], $0x80  }
0x6f: {  	[sflag:s12] =	ssyncset.done $0x0  }
0x70: {  	[sflag:s12] =	ssyncadd.s32 $0xFFFFFF80  }
0x71: {  	_ =	swait.ge [sflag:s12], $0x80  }
0x72: {  	[sflag:s12] =	ssyncset.done $0x0  }
0x73: {  	[sflag:s12] =	ssyncadd.s32 $0xFFFFFF80  }
0x74: {  	_ =	swait.ge [sflag:s12], $0x80  }
0x75: {  	s16 =	simm.s32 $0x2200;
	s19 =	simm.s32 $0x4400;
	[sflag:s12] =	ssyncset.done $0x0  }
.LBB2_4:
0x76: {  	s18 =	sshra.s32 s16, $0x2  }
0x77: {  	[sflag:s12] =	ssyncadd.s32 $0xFFFFFF80;
	s16 =	smov.u32 s19;
	s17 =	sadd.s32 $0x2200, s19  }
0x78: {  	[spmem:s2] =	stream.indirect.scatter.add.f32 [tilespmem:s11], [sflag:$0x1], $0x1, s18, s10, $0xb8;
	[tilespmem:$0xE000] =	vst v63  }
0x79: {  	p0 =	sne.s32 s19, $0x2EC00;
	s19 =	sadd.s32 $0x80, s18  }
0x7a: {  	[spmem:s2] =	stream.indirect.scatter.add.f32 [tilespmem:s11], [sflag:$0x1], $0x1, s19, s10, $0xb8;
	[tilespmem:$0xE000] =	vst v63  }
0x7b: {  	s19 =	sadd.s32 $0x100, s18  }
0x7c: {  	[spmem:s2] =	stream.indirect.scatter.add.f32 [tilespmem:s11], [sflag:$0x1], $0x1, s19, s10, $0xb8;
	[tilespmem:$0xE000] =	vst v63  }
0x7d: {  	s19 =	sadd.s32 $0x180, s18  }
0x7e: {  	[spmem:s2] =	stream.indirect.scatter.add.f32 [tilespmem:s11], [sflag:$0x1], $0x1, s19, s10, $0xb8;
	[tilespmem:$0xE000] =	vst v63  }
0x7f: {  	s19 =	sadd.s32 $0x200, s18  }
0x80: {  	[spmem:s2] =	stream.indirect.scatter.add.f32 [tilespmem:s11], [sflag:$0x1], $0x1, s19, s10, $0xb8;
	[tilespmem:$0xE000] =	vst v63  }
0x81: {  	s19 =	sadd.s32 $0x280, s18  }
0x82: {  	[spmem:s2] =	stream.indirect.scatter.add.f32 [tilespmem:s11], [sflag:$0x1], $0x1, s19, s10, $0xb8;
	[tilespmem:$0xE000] =	vst v63  }
0x83: {  	s19 =	sadd.s32 $0x300, s18  }
0x84: {  	[spmem:s2] =	stream.indirect.scatter.add.f32 [tilespmem:s11], [sflag:$0x1], $0x1, s19, s10, $0xb8;
	[tilespmem:$0xE000] =	vst v63  }
0x85: {  	s19 =	sadd.s32 $0x380, s18  }
0x86: {  	[spmem:s2] =	stream.indirect.scatter.add.f32 [tilespmem:s11], [sflag:$0x1], $0x1, s19, s10, $0xb8;
	[tilespmem:$0xE000] =	vst v63  }
0x87: {  	s19 =	sadd.s32 $0x400, s18  }
0x88: {  	[spmem:s2] =	stream.indirect.scatter.add.f32 [tilespmem:s11], [sflag:$0x1], $0x1, s19, s10, $0xb8;
	[tilespmem:$0xE000] =	vst v63  }
0x89: {  	s19 =	sadd.s32 $0x480, s18  }
0x8a: {  	[spmem:s2] =	stream.indirect.scatter.add.f32 [tilespmem:s11], [sflag:$0x1], $0x1, s19, s10, $0xb8;
	[tilespmem:$0xE000] =	vst v63  }
0x8b: {  	s19 =	sadd.s32 $0x500, s18  }
0x8c: {  	[spmem:s2] =	stream.indirect.scatter.add.f32 [tilespmem:s11], [sflag:$0x1], $0x1, s19, s10, $0xb8;
	[tilespmem:$0xE000] =	vst v63  }
0x8d: {  	s19 =	sadd.s32 $0x580, s18  }
0x8e: {  	[spmem:s2] =	stream.indirect.scatter.add.f32 [tilespmem:s11], [sflag:$0x1], $0x1, s19, s10, $0xb8;
	[tilespmem:$0xE000] =	vst v63  }
0x8f: {  	s19 =	sadd.s32 $0x600, s18  }
0x90: {  	[spmem:s2] =	stream.indirect.scatter.add.f32 [tilespmem:s11], [sflag:$0x1], $0x1, s19, s10, $0xb8;
	[tilespmem:$0xE000] =	vst v63  }
0x91: {  	s19 =	sadd.s32 $0x680, s18  }
0x92: {  	[spmem:s2] =	stream.indirect.scatter.add.f32 [tilespmem:s11], [sflag:$0x1], $0x1, s19, s10, $0xb8;
	[tilespmem:$0xE000] =	vst v63  }
0x93: {  	s19 =	sadd.s32 $0x700, s18  }
0x94: {  	[spmem:s2] =	stream.indirect.scatter.add.f32 [tilespmem:s11], [sflag:$0x1], $0x1, s19, s10, $0xb8;
	[tilespmem:$0xE000] =	vst v63  }
0x95: {  	s19 =	sadd.s32 $0x780, s18  }
0x96: {  	[spmem:s2] =	stream.indirect.scatter.add.f32 [tilespmem:s11], [sflag:$0x1], $0x1, s19, s10, $0xb8;
	[tilespmem:$0xE000] =	vst v63  }
0x97: {  	s18 =	sadd.s32 $0x800, s18  }
0x98: {  	[spmem:s2] =	stream.indirect.scatter.add.f32 [tilespmem:s11], [sflag:$0x1], $0x1, s18, s10, $0xb8;
	[tilespmem:$0xE000] =	vst v63  }
0x99: {  	_ =	swait.ge [sflag:s12], $0x80  }
0x9a: {  	[sflag:s12] =	ssyncset.done $0x0  }
0x9b: {  	[sflag:s12] =	ssyncadd.s32 $0xFFFFFF80  }
0x9c: {  	_ =	swait.ge [sflag:s12], $0x80  }
0x9d: {  	[sflag:s12] =	ssyncset.done $0x0  }
0x9e: {  	[sflag:s12] =	ssyncadd.s32 $0xFFFFFF80  }
0x9f: {  	_ =	swait.ge [sflag:s12], $0x80  }
0xa0: {  	[sflag:s12] =	ssyncset.done $0x0  }
0xa1: {  	[sflag:s12] =	ssyncadd.s32 $0xFFFFFF80  }
0xa2: {  	_ =	swait.ge [sflag:s12], $0x80  }
0xa3: {  	[sflag:s12] =	ssyncset.done $0x0  }
0xa4: {  	[sflag:s12] =	ssyncadd.s32 $0xFFFFFF80  }
0xa5: {  	_ =	swait.ge [sflag:s12], $0x80  }
0xa6: {  	[sflag:s12] =	ssyncset.done $0x0  }
0xa7: {  	[sflag:s12] =	ssyncadd.s32 $0xFFFFFF80  }
0xa8: {  	_ =	swait.ge [sflag:s12], $0x80  }
0xa9: {  	[sflag:s12] =	ssyncset.done $0x0  }
0xaa: {  	[sflag:s12] =	ssyncadd.s32 $0xFFFFFF80  }
0xab: {  	_ =	swait.ge [sflag:s12], $0x80  }
0xac: {  	[sflag:s12] =	ssyncset.done $0x0  }
0xad: {  	[sflag:s12] =	ssyncadd.s32 $0xFFFFFF80  }
0xae: {  	_ =	swait.ge [sflag:s12], $0x80  }
0xaf: {  	[sflag:s12] =	ssyncset.done $0x0  }
0xb0: {  	[sflag:s12] =	ssyncadd.s32 $0xFFFFFF80  }
0xb1: {  	_ =	swait.ge [sflag:s12], $0x80  }
0xb2: {  	[sflag:s12] =	ssyncset.done $0x0  }
0xb3: {  	[sflag:s12] =	ssyncadd.s32 $0xFFFFFF80  }
0xb4: {  	_ =	swait.ge [sflag:s12], $0x80  }
0xb5: {  	[sflag:s12] =	ssyncset.done $0x0  }
0xb6: {  	[sflag:s12] =	ssyncadd.s32 $0xFFFFFF80  }
0xb7: {  	_ =	swait.ge [sflag:s12], $0x80  }
0xb8: {  	[sflag:s12] =	ssyncset.done $0x0  }
0xb9: {  	[sflag:s12] =	ssyncadd.s32 $0xFFFFFF80  }
0xba: {  	_ =	swait.ge [sflag:s12], $0x80  }
0xbb: {  	[sflag:s12] =	ssyncset.done $0x0  }
0xbc: {  	[sflag:s12] =	ssyncadd.s32 $0xFFFFFF80  }
0xbd: {  	_ =	swait.ge [sflag:s12], $0x80  }
0xbe: {  	[sflag:s12] =	ssyncset.done $0x0  }
0xbf: {  	[sflag:s12] =	ssyncadd.s32 $0xFFFFFF80  }
0xc0: {  	_ =	swait.ge [sflag:s12], $0x80  }
0xc1: {  	[sflag:s12] =	ssyncset.done $0x0  }
0xc2: {  	[sflag:s12] =	ssyncadd.s32 $0xFFFFFF80  }
0xc3: {  	_ =	swait.ge [sflag:s12], $0x80  }
0xc4: {  	[sflag:s12] =	ssyncset.done $0x0  }
0xc5: {  	[sflag:s12] =	ssyncadd.s32 $0xFFFFFF80  }
.Ltmp1:
0xc6: {  	_ =	swait.ge [sflag:s12], $0x80;
	(pc) =	sbr.rel @p0 .LBB2_4-.Ltmp1, $4  }
0xc7: {  	[sflag:s12] =	ssyncset.done $0x0  }
0xc8: {  	[sflag:s12] =	ssyncadd.s32 $0xFFFFFF80  }
0xc9: {  	_ =	swait.ge [sflag:s12], $0x80  }
0xca: {  	s19 =	smov.u32 s17;
	[sflag:s12] =	ssyncset.done $0x0  }
0xcb: {  	s16 =	sshra.s32 s16, $0x2;
	[sflag:s12] =	ssyncadd.s32 $0xFFFFFF80  }
0xcc: {  	[spmem:s2] =	stream.indirect.scatter.add.f32 [tilespmem:s11], [sflag:$0x1], $0x1, s16, s10, $0xb8;
	[tilespmem:$0xE000] =	vst v63  }
0xcd: {  	s17 =	sadd.s32 $0x80, s16  }
0xce: {  	[spmem:s2] =	stream.indirect.scatter.add.f32 [tilespmem:s11], [sflag:$0x1], $0x1, s17, s10, $0xb8;
	[tilespmem:$0xE000] =	vst v63  }
0xcf: {  	s31 =	sadd.s32 $0x100, s16  }
0xd0: {  	[spmem:s2] =	stream.indirect.scatter.add.f32 [tilespmem:s11], [sflag:$0x1], $0x1, s31, s10, $0xb8;
	[tilespmem:$0xE000] =	vst v63  }
0xd1: {  	s18 =	sadd.s32 $0x180, s16  }
0xd2: {  	[spmem:s2] =	stream.indirect.scatter.add.f32 [tilespmem:s11], [sflag:$0x1], $0x1, s18, s10, $0xb8;
	[tilespmem:$0xE000] =	vst v63  }
0xd3: {  	s19 =	sadd.s32 $0x200, s16  }
0xd4: {  	[spmem:s2] =	stream.indirect.scatter.add.f32 [tilespmem:s11], [sflag:$0x1], $0x1, s19, s10, $0xb8;
	[tilespmem:$0xE000] =	vst v63  }
0xd5: {  	s20 =	sadd.s32 $0x280, s16  }
0xd6: {  	[spmem:s2] =	stream.indirect.scatter.add.f32 [tilespmem:s11], [sflag:$0x1], $0x1, s20, s10, $0xb8;
	[tilespmem:$0xE000] =	vst v63  }
0xd7: {  	s21 =	sadd.s32 $0x300, s16  }
0xd8: {  	[spmem:s2] =	stream.indirect.scatter.add.f32 [tilespmem:s11], [sflag:$0x1], $0x1, s21, s10, $0xb8;
	[tilespmem:$0xE000] =	vst v63  }
0xd9: {  	s22 =	sadd.s32 $0x380, s16  }
0xda: {  	[spmem:s2] =	stream.indirect.scatter.add.f32 [tilespmem:s11], [sflag:$0x1], $0x1, s22, s10, $0xb8;
	[tilespmem:$0xE000] =	vst v63  }
0xdb: {  	s23 =	sadd.s32 $0x400, s16  }
0xdc: {  	[spmem:s2] =	stream.indirect.scatter.add.f32 [tilespmem:s11], [sflag:$0x1], $0x1, s23, s10, $0xb8;
	[tilespmem:$0xE000] =	vst v63  }
0xdd: {  	s24 =	sadd.s32 $0x480, s16  }
0xde: {  	[spmem:s2] =	stream.indirect.scatter.add.f32 [tilespmem:s11], [sflag:$0x1], $0x1, s24, s10, $0xb8;
	[tilespmem:$0xE000] =	vst v63  }
0xdf: {  	s25 =	sadd.s32 $0x500, s16  }
0xe0: {  	[spmem:s2] =	stream.indirect.scatter.add.f32 [tilespmem:s11], [sflag:$0x1], $0x1, s25, s10, $0xb8;
	[tilespmem:$0xE000] =	vst v63  }
0xe1: {  	s26 =	sadd.s32 $0x580, s16  }
0xe2: {  	[spmem:s2] =	stream.indirect.scatter.add.f32 [tilespmem:s11], [sflag:$0x1], $0x1, s26, s10, $0xb8;
	[tilespmem:$0xE000] =	vst v63  }
0xe3: {  	s28 =	sadd.s32 $0x600, s16  }
0xe4: {  	[spmem:s2] =	stream.indirect.scatter.add.f32 [tilespmem:s11], [sflag:$0x1], $0x1, s28, s10, $0xb8;
	[tilespmem:$0xE000] =	vst v63  }
0xe5: {  	s29 =	sadd.s32 $0x680, s16  }
0xe6: {  	[spmem:s2] =	stream.indirect.scatter.add.f32 [tilespmem:s11], [sflag:$0x1], $0x1, s29, s10, $0xb8;
	[tilespmem:$0xE000] =	vst v63  }
0xe7: {  	s30 =	sadd.s32 $0x700, s16  }
0xe8: {  	[spmem:s2] =	stream.indirect.scatter.add.f32 [tilespmem:s11], [sflag:$0x1], $0x1, s30, s10, $0xb8;
	[tilespmem:$0xE000] =	vst v63  }
0xe9: {  	s31 =	sadd.s32 $0x780, s16  }
0xea: {  	[spmem:s2] =	stream.indirect.scatter.add.f32 [tilespmem:s11], [sflag:$0x1], $0x1, s31, s10, $0xb8;
	[tilespmem:$0xE000] =	vst v63  }
0xeb: {  	s16 =	sadd.s32 $0x800, s16  }
0xec: {  	[spmem:s2] =	stream.indirect.scatter.add.f32 [tilespmem:s11], [sflag:$0x1], $0x1, s16, s10, $0xb8;
	[tilespmem:$0xE000] =	vst v63  }
0xed: {  	_ =	swait.ge [sflag:s12], $0x80  }
0xee: {  	[sflag:s12] =	ssyncset.done $0x0  }
0xef: {  	[sflag:s12] =	ssyncadd.s32 $0xFFFFFF80  }
0xf0: {  	_ =	swait.ge [sflag:s12], $0x80  }
0xf1: {  	[sflag:s12] =	ssyncset.done $0x0  }
0xf2: {  	[sflag:s12] =	ssyncadd.s32 $0xFFFFFF80  }
0xf3: {  	_ =	swait.ge [sflag:s12], $0x80  }
0xf4: {  	[sflag:s12] =	ssyncset.done $0x0  }
0xf5: {  	[sflag:s12] =	ssyncadd.s32 $0xFFFFFF80  }
0xf6: {  	_ =	swait.ge [sflag:s12], $0x80  }
0xf7: {  	[sflag:s12] =	ssyncset.done $0x0  }
0xf8: {  	[sflag:s12] =	ssyncadd.s32 $0xFFFFFF80  }
0xf9: {  	_ =	swait.ge [sflag:s12], $0x80  }
0xfa: {  	[sflag:s12] =	ssyncset.done $0x0  }
0xfb: {  	[sflag:s12] =	ssyncadd.s32 $0xFFFFFF80  }
0xfc: {  	_ =	swait.ge [sflag:s12], $0x80  }
0xfd: {  	[sflag:s12] =	ssyncset.done $0x0  }
0xfe: {  	[sflag:s12] =	ssyncadd.s32 $0xFFFFFF80  }
0xff: {  	_ =	swait.ge [sflag:s12], $0x80  }
0x100: {  	[sflag:s12] =	ssyncset.done $0x0  }
0x101: {  	[sflag:s12] =	ssyncadd.s32 $0xFFFFFF80  }
0x102: {  	_ =	swait.ge [sflag:s12], $0x80  }
0x103: {  	[sflag:s12] =	ssyncset.done $0x0  }
0x104: {  	[sflag:s12] =	ssyncadd.s32 $0xFFFFFF80  }
0x105: {  	_ =	swait.ge [sflag:s12], $0x80  }
0x106: {  	[sflag:s12] =	ssyncset.done $0x0  }
0x107: {  	[sflag:s12] =	ssyncadd.s32 $0xFFFFFF80  }
0x108: {  	_ =	swait.ge [sflag:s12], $0x80  }
0x109: {  	[sflag:s12] =	ssyncset.done $0x0  }
0x10a: {  	[sflag:s12] =	ssyncadd.s32 $0xFFFFFF80  }
0x10b: {  	_ =	swait.ge [sflag:s12], $0x80  }
0x10c: {  	[sflag:s12] =	ssyncset.done $0x0  }
0x10d: {  	[sflag:s12] =	ssyncadd.s32 $0xFFFFFF80  }
0x10e: {  	_ =	swait.ge [sflag:s12], $0x80  }
0x10f: {  	[sflag:s12] =	ssyncset.done $0x0  }
0x110: {  	[sflag:s12] =	ssyncadd.s32 $0xFFFFFF80  }
0x111: {  	_ =	swait.ge [sflag:s12], $0x80  }
0x112: {  	[sflag:s12] =	ssyncset.done $0x0  }
0x113: {  	[sflag:s12] =	ssyncadd.s32 $0xFFFFFF80  }
0x114: {  	_ =	swait.ge [sflag:s12], $0x80  }
0x115: {  	[sflag:s12] =	ssyncset.done $0x0  }
0x116: {  	[sflag:s12] =	ssyncadd.s32 $0xFFFFFF80  }
0x117: {  	_ =	swait.ge [sflag:s12], $0x80  }
0x118: {  	[sflag:s12] =	ssyncset.done $0x0  }
0x119: {  	[sflag:s12] =	ssyncadd.s32 $0xFFFFFF80  }
0x11a: {  	_ =	swait.ge [sflag:s12], $0x80  }
0x11b: {  	[sflag:s12] =	ssyncset.done $0x0  }
0x11c: {  	[sflag:s12] =	ssyncadd.s32 $0xFFFFFF80  }
0x11d: {  	_ =	swait.ge [sflag:s12], $0x80  }
0x11e: {  	s15 =	sadd.s32 $0x1, s15;
	[sflag:s12] =	ssyncset.done $0x0  }
0x11f: {  	p0 =	sne.s32 s15, s7;
	[sflag:s12] =	ssyncadd.s32 $0xFFFFFF80  }
.Ltmp2:
0x120: {  	[bflag:$0x0] =	sbarrier.arrive $0xFFFF;
	(pc) =	sbr.rel @p0 .LBB2_1-.Ltmp2, $4  }
0x121: {  	[hbm:s6], [sflag:s13] =	dma.local [spmem:s14], $0x1C0  }
0x122: {  	_ =	swait.ge [sflag:s8], $0x1C0  }
0x123: {  	[sflag:s8] =	ssyncset.done $0x0  }
0x124: {  	[sflag:s8] =	ssyncadd.s32 $0xFFFFFE40  }
0x125: {  	_ =	sfence.sel $0x180000  }
0x126: {  	[bflag:$0x0] =	sbarrier.arrive $0xFFFF  }
0x127: {  	p0 =	sne.s32 s1, $0x0;
	_ =	strace $0x90000047  }
0x128: {  	s0 =	sadd.s32 @!p0 $0x100000, s0;
	[bflag:$0x2] =	sbarrier.arrive $0xFFFF  }
0x129: {  	[sflag:s0] =	ssyncadd.tile.s32 @!p0 $0x1;
	_ =	shalt  }
.Lfunc_end2:
_tile_overlayer_lowered:
.L_overlay_start_2:
0x12a: {  	(tag) =	ssettag $0x2  }
0x12b: {  	s0 =	rddreg [dreg:$0x0];
	s2 =	stileid.u32  }
0x12c: {  	s1 =	rddreg [dreg:$0x1];
	p0 =	sne.s32 s2, $0x0  }
0x12d: {  	s3 =	rddreg [dreg:$0x2];
	[bflag:$0x3] =	sbarrier.arrive $0xFFFF;
	s2 =	simm.s32 @!p0 $0x1C02  }
0x12e: {  	[timem:s3], [sflag:s2] =	dma.local @!p0 [hbm:s0], s1  }
0x12f: {  	s0 =	simm.s32 @!p0 $0x2  }
0x130: {  	_ =	swait.ge @!p0 [sflag:s0], s1  }
0x131: {  	s1 =	ssub.s32 @!p0 $0x0, s1;
	[sflag:s0] =	ssyncset.done @!p0 $0x0  }
0x132: {  	[sflag:s0] =	ssyncadd.s32 @!p0 s1  }
0x133: {  	[bflag:$0x3] =	sbarrier.arrive $0xFFFF  }
0x134: {  	_ =	shalt  }

</sc_bundles>
